<compile_context>
chip_gen: v7x
topology: tpu7x:2x2x1
jax: 0.10.2.dev20260603
libtpu: 0.0.44.dev20260713+nightly
codegen_flags: <defaults>
</compile_context>

<pallas_src>
import functools

import jax
import jax.numpy as jnp
from jax import lax
from jax.experimental import pallas as pl
from jax.experimental.pallas import tpu as pltpu
from jax.experimental.pallas import tpu_sc as plsc

_SIZE = 16384
_DIM = 64
_NNEG = 5
_NW = 32
_SC_SIZE = 4096
_TC_SIZE = _SIZE - _SC_SIZE
_PER_W = _SC_SIZE // _NW
_TC_B = 4096


def _sc_scores_body(ct_hbm, ot_hbm, nt_hbm, out_hbm, c_v, o_v, n_v, s_v):
    wid = lax.axis_index("s") * 2 + lax.axis_index("c")
    base = _TC_SIZE + wid * _PER_W
    sl_in = pl.ds(base, _PER_W)
    pltpu.sync_copy(ct_hbm.at[:, sl_in], c_v)
    pltpu.sync_copy(ot_hbm.at[:, sl_in], o_v)
    pltpu.sync_copy(nt_hbm.at[:, :, sl_in], n_v)

    def grp(g, carry):
        off = g * 16
        sl = pl.ds(off, 16)

        def dstep(d, accs):
            cd = c_v[d, sl]
            new0 = accs[0] + cd * o_v[d, sl]
            rest = tuple(accs[1 + k] - n_v[k, d, sl] * cd for k in range(_NNEG))
            return (new0,) + rest

        zeros = tuple(jnp.zeros((16,), jnp.float32) for _ in range(1 + _NNEG))
        accs = lax.fori_loop(0, _DIM, dstep, zeros, unroll=8)
        for row in range(1 + _NNEG):
            s_v[row, sl] = accs[row]
        return carry

    lax.fori_loop(0, _PER_W // 16, grp, 0)
    pltpu.sync_copy(s_v, out_hbm.at[:, pl.ds(wid * _PER_W, _PER_W)])


def _log_sigmoid(x):
    return jnp.minimum(x, 0.0) - jnp.log1p(jnp.exp(-jnp.abs(x)))


def _tc_body(c_ref, o_ref, n_ref, out_ref):
    c = c_ref[...]
    pos = jnp.sum(o_ref[...] * c, axis=0)
    acc = _log_sigmoid(pos)
    for k in range(_NNEG):
        s = jnp.sum(n_ref[k] * c, axis=0)
        acc = acc + _log_sigmoid(-s)
    partial = jnp.sum(acc)

    @pl.when(pl.program_id(0) == 0)
    def _():
        out_ref[0, 0] = 0.0

    out_ref[0, 0] += partial


def _finish_body(s_ref, p_ref, out_ref):
    out_ref[0, 0] = p_ref[0, 0] + jnp.sum(_log_sigmoid(s_ref[...]))


def kernel(center_word_vec, outside_word_vec, neg_word_vec):
    size, dim = center_word_vec.shape
    c_t = center_word_vec.T
    o_t = outside_word_vec.T
    n_t = jnp.transpose(neg_word_vec, (1, 2, 0))

    mesh = plsc.VectorSubcoreMesh(core_axis_name="c", subcore_axis_name="s")
    sc_scores = functools.partial(
        pl.kernel,
        out_type=jax.ShapeDtypeStruct((1 + _NNEG, _SC_SIZE), jnp.float32),
        mesh=mesh,
        scratch_types=[
            pltpu.VMEM((_DIM, _PER_W), jnp.float32),
            pltpu.VMEM((_DIM, _PER_W), jnp.float32),
            pltpu.VMEM((_NNEG, _DIM, _PER_W), jnp.float32),
            pltpu.VMEM((1 + _NNEG, _PER_W), jnp.float32),
        ],
        compiler_params=pltpu.CompilerParams(use_tc_tiling_on_sc=True),
    )(_sc_scores_body)
    scores = sc_scores(c_t, o_t, n_t)

    tc_partial = pl.pallas_call(
        _tc_body,
        grid=(_TC_SIZE // _TC_B,),
        in_specs=[
            pl.BlockSpec((dim, _TC_B), lambda i: (0, i)),
            pl.BlockSpec((dim, _TC_B), lambda i: (0, i)),
            pl.BlockSpec((_NNEG, dim, _TC_B), lambda i: (0, 0, i)),
        ],
        out_specs=pl.BlockSpec(memory_space=pltpu.SMEM),
        out_shape=jax.ShapeDtypeStruct((1, 1), jnp.float32),
    )(c_t, o_t, n_t)

    out = pl.pallas_call(
        _finish_body,
        in_specs=[
            pl.BlockSpec((1 + _NNEG, _SC_SIZE), lambda: (0, 0)),
            pl.BlockSpec(memory_space=pltpu.SMEM),
        ],
        out_specs=pl.BlockSpec(memory_space=pltpu.SMEM),
        out_shape=jax.ShapeDtypeStruct((1, 1), jnp.float32),
    )(scores, tc_partial)
    return -(out[0, 0] / size)

# --- scband reference (transcript-rebuilt; emitter-appended) ---
"""Pipeline reference for scband-word2-vec-64742337020005 (READ-ONLY COPY).

The authoritative reference and input builder live on the scoring server;
editing this copy changes nothing except your own understanding.
"""

import jax, jax.numpy as jnp
import numpy as np


def setup_inputs(seed: int = 0) -> dict:
    key = jax.random.key(seed)
    k1, k2, k3 = jax.random.split(key, 3)
    size, dim, neg = 16384, 64, 5
    center_word_vec = jax.random.normal(k1, (size, dim), dtype=jnp.float32)
    outside_word_vec = jax.random.normal(k2, (size, dim), dtype=jnp.float32)
    neg_word_vec = jax.random.normal(k3, (size, neg, dim), dtype=jnp.float32)
    return {
        "center_word_vec": center_word_vec,
        "outside_word_vec": outside_word_vec,
        "neg_word_vec": neg_word_vec,
    }


def reference(center_word_vec, outside_word_vec, neg_word_vec):
    # pos_loss = logsigmoid(bmm(outside[size,1,dim], center[size,dim,1])).squeeze()
    pos_score = jnp.einsum('bd,bd->b', outside_word_vec, center_word_vec)
    pos_loss = jax.nn.log_sigmoid(pos_score)
    # neg_loss = logsigmoid(bmm(-neg[size,neg,dim], center[size,dim,1])).squeeze().sum(1)
    neg_score = jnp.einsum('bnd,bd->bn', -neg_word_vec, center_word_vec)
    neg_loss = jax.nn.log_sigmoid(neg_score).sum(axis=1)
    return -(pos_loss + neg_loss).mean()

if __name__ == "__main__":
    import jax
    _d = setup_inputs()
    print(jax.jit(kernel)(*tuple(_d.values())))

</pallas_src>

<mosaic_0001>
#map = affine_map<(d0, d1) -> (0, 0)>
#map1 = affine_map<(d0, d1) -> (0, 0, 0)>
module attributes {stable_mosaic.version = 14 : i64} {
  func.func @_sc_scores_body(%arg0: i32, %arg1: i32, %arg2: memref<64x16384xf32, #tpu.memory_space<hbm>>, %arg3: memref<64x16384xf32, #tpu.memory_space<hbm>>, %arg4: memref<5x64x16384xf32, #tpu.memory_space<hbm>>, %arg5: memref<6x4096xf32, #tpu.memory_space<hbm>>, %arg6: memref<64x128xf32, #tpu.memory_space<vmem>>, %arg7: memref<64x128xf32, #tpu.memory_space<vmem>>, %arg8: memref<5x64x128xf32, #tpu.memory_space<vmem>>, %arg9: memref<6x128xf32, #tpu.memory_space<vmem>>) attributes {dimension_semantics = [#tpu.dimension_semantics<core_parallel>, #tpu.dimension_semantics<subcore_parallel>], iteration_bounds = array<i64: 2, 16>, scalar_prefetch = 0 : i64, scratch_operands = 4 : i64, tpu.core_type = #tpu.core_type<sc_vector_subcore>, window_params = [{transform_indices = #map}, {transform_indices = #map}, {transform_indices = #map1}, {transform_indices = #map}]} {
    %mul3A = arith.constant 2 : i32
    %mul3A_0 = arith.muli %arg1, %mul3A : i32
    %add3A = arith.addi %mul3A_0, %arg0 : i32
    %mul3A_1 = arith.constant 128 : i32
    %mul3A_2 = arith.muli %add3A, %mul3A_1 : i32
    %add3A_3 = arith.constant 12288 : i32
    %add3A_4 = arith.addi %add3A_3, %mul3A_2 : i32
    "tpu.region"() ({
      %run_scoped3A = tpu.sem_alloc : memref<!tpu.dma_semaphore, #tpu.memory_space<semaphore_mem>>
      %dma_start3A = arith.constant 0 : i32
      %dma_start3A_12 = tpu.memref_slice %arg2[%dma_start3A, %add3A_4] : memref<64x16384xf32, #tpu.memory_space<hbm>> -> memref<64x128xf32, #tpu.memory_space<hbm>>
      %dma_start3A_13 = arith.constant 0 : i32
      %dma_start3A_14 = tpu.memref_slice %arg2[%dma_start3A_13, %add3A_4] : memref<64x16384xf32, #tpu.memory_space<hbm>> -> memref<64x128xf32, #tpu.memory_space<hbm>>
      tpu.enqueue_dma source(%dma_start3A_14 : memref<64x128xf32, #tpu.memory_space<hbm>>) target(%arg6 : memref<64x128xf32, #tpu.memory_space<vmem>>) target_semaphore(%run_scoped3A : memref<!tpu.dma_semaphore, #tpu.memory_space<semaphore_mem>>)
      %dma_wait3A = arith.constant 0 : i32
      %dma_wait3A_15 = tpu.memref_slice %arg2[%dma_wait3A, %add3A_4] : memref<64x16384xf32, #tpu.memory_space<hbm>> -> memref<64x128xf32, #tpu.memory_space<hbm>>
      %dma_wait3A_16 = arith.constant 0 : i32
      %dma_wait3A_17 = tpu.memref_slice %arg2[%dma_wait3A_16, %add3A_4] : memref<64x16384xf32, #tpu.memory_space<hbm>> -> memref<64x128xf32, #tpu.memory_space<hbm>>
      tpu.wait_dma2 semaphore(%run_scoped3A : memref<!tpu.dma_semaphore, #tpu.memory_space<semaphore_mem>>) src(%dma_wait3A_17 : memref<64x128xf32, #tpu.memory_space<hbm>>) dst(%arg6 : memref<64x128xf32, #tpu.memory_space<vmem>>)
      tpu.yield
    }) : () -> ()
    "tpu.region"() ({
      %run_scoped3A = tpu.sem_alloc : memref<!tpu.dma_semaphore, #tpu.memory_space<semaphore_mem>>
      %dma_start3A = arith.constant 0 : i32
      %dma_start3A_12 = tpu.memref_slice %arg3[%dma_start3A, %add3A_4] : memref<64x16384xf32, #tpu.memory_space<hbm>> -> memref<64x128xf32, #tpu.memory_space<hbm>>
      %dma_start3A_13 = arith.constant 0 : i32
      %dma_start3A_14 = tpu.memref_slice %arg3[%dma_start3A_13, %add3A_4] : memref<64x16384xf32, #tpu.memory_space<hbm>> -> memref<64x128xf32, #tpu.memory_space<hbm>>
      tpu.enqueue_dma source(%dma_start3A_14 : memref<64x128xf32, #tpu.memory_space<hbm>>) target(%arg7 : memref<64x128xf32, #tpu.memory_space<vmem>>) target_semaphore(%run_scoped3A : memref<!tpu.dma_semaphore, #tpu.memory_space<semaphore_mem>>)
      %dma_wait3A = arith.constant 0 : i32
      %dma_wait3A_15 = tpu.memref_slice %arg3[%dma_wait3A, %add3A_4] : memref<64x16384xf32, #tpu.memory_space<hbm>> -> memref<64x128xf32, #tpu.memory_space<hbm>>
      %dma_wait3A_16 = arith.constant 0 : i32
      %dma_wait3A_17 = tpu.memref_slice %arg3[%dma_wait3A_16, %add3A_4] : memref<64x16384xf32, #tpu.memory_space<hbm>> -> memref<64x128xf32, #tpu.memory_space<hbm>>
      tpu.wait_dma2 semaphore(%run_scoped3A : memref<!tpu.dma_semaphore, #tpu.memory_space<semaphore_mem>>) src(%dma_wait3A_17 : memref<64x128xf32, #tpu.memory_space<hbm>>) dst(%arg7 : memref<64x128xf32, #tpu.memory_space<vmem>>)
      tpu.yield
    }) : () -> ()
    "tpu.region"() ({
      %run_scoped3A = tpu.sem_alloc : memref<!tpu.dma_semaphore, #tpu.memory_space<semaphore_mem>>
      %dma_start3A = arith.constant 0 : i32
      %dma_start3A_12 = arith.constant 0 : i32
      %dma_start3A_13 = tpu.memref_slice %arg4[%dma_start3A, %dma_start3A_12, %add3A_4] : memref<5x64x16384xf32, #tpu.memory_space<hbm>> -> memref<5x64x128xf32, #tpu.memory_space<hbm>>
      %dma_start3A_14 = arith.constant 0 : i32
      %dma_start3A_15 = arith.constant 0 : i32
      %dma_start3A_16 = tpu.memref_slice %arg4[%dma_start3A_14, %dma_start3A_15, %add3A_4] : memref<5x64x16384xf32, #tpu.memory_space<hbm>> -> memref<5x64x128xf32, #tpu.memory_space<hbm>>
      tpu.enqueue_dma source(%dma_start3A_16 : memref<5x64x128xf32, #tpu.memory_space<hbm>>) target(%arg8 : memref<5x64x128xf32, #tpu.memory_space<vmem>>) target_semaphore(%run_scoped3A : memref<!tpu.dma_semaphore, #tpu.memory_space<semaphore_mem>>)
      %dma_wait3A = arith.constant 0 : i32
      %dma_wait3A_17 = arith.constant 0 : i32
      %dma_wait3A_18 = tpu.memref_slice %arg4[%dma_wait3A, %dma_wait3A_17, %add3A_4] : memref<5x64x16384xf32, #tpu.memory_space<hbm>> -> memref<5x64x128xf32, #tpu.memory_space<hbm>>
      %dma_wait3A_19 = arith.constant 0 : i32
      %dma_wait3A_20 = arith.constant 0 : i32
      %dma_wait3A_21 = tpu.memref_slice %arg4[%dma_wait3A_19, %dma_wait3A_20, %add3A_4] : memref<5x64x16384xf32, #tpu.memory_space<hbm>> -> memref<5x64x128xf32, #tpu.memory_space<hbm>>
      tpu.wait_dma2 semaphore(%run_scoped3A : memref<!tpu.dma_semaphore, #tpu.memory_space<semaphore_mem>>) src(%dma_wait3A_21 : memref<5x64x128xf32, #tpu.memory_space<hbm>>) dst(%arg8 : memref<5x64x128xf32, #tpu.memory_space<vmem>>)
      tpu.yield
    }) : () -> ()
    %scan3A = arith.constant 0 : i32
    %scan3A_5 = arith.constant 0 : i32
    %scan3A_6 = arith.constant 8 : i32
    %scan3A_7 = arith.addi %scan3A_5, %scan3A_6 : i32
    %scan3A_8 = arith.constant 1 : i32
    scf.for %scan3A_12 = %scan3A_5 to %scan3A_7 step %scan3A_8  : i32 {
      %mul3A_13 = arith.constant 16 : i32
      %mul3A_14 = arith.muli %scan3A_12, %mul3A_13 : i32
      %broadcast_in_dim3A = arith.constant 0.000000e+00 : f32
      %broadcast_in_dim3A_15 = vector.broadcast %broadcast_in_dim3A : f32 to vector<16xf32>
      %broadcast_in_dim3A_16 = arith.constant 0.000000e+00 : f32
      %broadcast_in_dim3A_17 = vector.broadcast %broadcast_in_dim3A_16 : f32 to vector<16xf32>
      %broadcast_in_dim3A_18 = arith.constant 0.000000e+00 : f32
      %broadcast_in_dim3A_19 = vector.broadcast %broadcast_in_dim3A_18 : f32 to vector<16xf32>
      %broadcast_in_dim3A_20 = arith.constant 0.000000e+00 : f32
      %broadcast_in_dim3A_21 = vector.broadcast %broadcast_in_dim3A_20 : f32 to vector<16xf32>
      %broadcast_in_dim3A_22 = arith.constant 0.000000e+00 : f32
      %broadcast_in_dim3A_23 = vector.broadcast %broadcast_in_dim3A_22 : f32 to vector<16xf32>
      %broadcast_in_dim3A_24 = arith.constant 0.000000e+00 : f32
      %broadcast_in_dim3A_25 = vector.broadcast %broadcast_in_dim3A_24 : f32 to vector<16xf32>
      %scan3A_26 = arith.constant 0 : i32
      %scan3A_27 = arith.constant 64 : i32
      %scan3A_28 = arith.addi %scan3A_26, %scan3A_27 : i32
      %scan3A_29 = arith.constant 8 : i32
      %scan3A_30:6 = scf.for %scan3A_67 = %scan3A_26 to %scan3A_28 step %scan3A_29 iter_args(%scan3A_68 = %broadcast_in_dim3A_15, %scan3A_69 = %broadcast_in_dim3A_17, %scan3A_70 = %broadcast_in_dim3A_19, %scan3A_71 = %broadcast_in_dim3A_21, %scan3A_72 = %broadcast_in_dim3A_23, %scan3A_73 = %broadcast_in_dim3A_25) -> (vector<16xf32>, vector<16xf32>, vector<16xf32>, vector<16xf32>, vector<16xf32>, vector<16xf32>)  : i32 {
        %get3A = arith.index_cast %scan3A_67 : i32 to index
        %get3A_74 = arith.index_cast %mul3A_14 : i32 to index
        %get3A_75 = tpu.vector_load %arg6[%get3A, %get3A_74] {strides = array<i32>} : memref<64x128xf32, #tpu.memory_space<vmem>>, vector<1x16xf32>,
        %get3A_76 = vector.shape_cast %get3A_75 : vector<1x16xf32> to vector<16xf32>
        %get3A_77 = arith.index_cast %scan3A_67 : i32 to index
        %get3A_78 = arith.index_cast %mul3A_14 : i32 to index
        %get3A_79 = tpu.vector_load %arg7[%get3A_77, %get3A_78] {strides = array<i32>} : memref<64x128xf32, #tpu.memory_space<vmem>>, vector<1x16xf32>,
        %get3A_80 = vector.shape_cast %get3A_79 : vector<1x16xf32> to vector<16xf32>
        %mul3A_81 = arith.mulf %get3A_76, %get3A_80 : vector<16xf32>
        %add3A_82 = arith.addf %scan3A_68, %mul3A_81 : vector<16xf32>
        %get3A_83 = arith.constant 0 : i32
        %get3A_84 = arith.index_cast %get3A_83 : i32 to index
        %get3A_85 = arith.index_cast %scan3A_67 : i32 to index
        %get3A_86 = arith.index_cast %mul3A_14 : i32 to index
        %get3A_87 = tpu.vector_load %arg8[%get3A_84, %get3A_85, %get3A_86] {strides = array<i32>} : memref<5x64x128xf32, #tpu.memory_space<vmem>>, vector<1x1x16xf32>,
        %get3A_88 = vector.shape_cast %get3A_87 : vector<1x1x16xf32> to vector<16xf32>
        %mul3A_89 = arith.mulf %get3A_88, %get3A_76 : vector<16xf32>
        %sub3A = arith.subf %scan3A_69, %mul3A_89 : vector<16xf32>
        %get3A_90 = arith.constant 1 : i32
        %get3A_91 = arith.index_cast %get3A_90 : i32 to index
        %get3A_92 = arith.index_cast %scan3A_67 : i32 to index
        %get3A_93 = arith.index_cast %mul3A_14 : i32 to index
        %get3A_94 = tpu.vector_load %arg8[%get3A_91, %get3A_92, %get3A_93] {strides = array<i32>} : memref<5x64x128xf32, #tpu.memory_space<vmem>>, vector<1x1x16xf32>,
        %get3A_95 = vector.shape_cast %get3A_94 : vector<1x1x16xf32> to vector<16xf32>
        %mul3A_96 = arith.mulf %get3A_95, %get3A_76 : vector<16xf32>
        %sub3A_97 = arith.subf %scan3A_70, %mul3A_96 : vector<16xf32>
        %get3A_98 = arith.constant 2 : i32
        %get3A_99 = arith.index_cast %get3A_98 : i32 to index
        %get3A_100 = arith.index_cast %scan3A_67 : i32 to index
        %get3A_101 = arith.index_cast %mul3A_14 : i32 to index
        %get3A_102 = tpu.vector_load %arg8[%get3A_99, %get3A_100, %get3A_101] {strides = array<i32>} : memref<5x64x128xf32, #tpu.memory_space<vmem>>, vector<1x1x16xf32>,
        %get3A_103 = vector.shape_cast %get3A_102 : vector<1x1x16xf32> to vector<16xf32>
        %mul3A_104 = arith.mulf %get3A_103, %get3A_76 : vector<16xf32>
        %sub3A_105 = arith.subf %scan3A_71, %mul3A_104 : vector<16xf32>
        %get3A_106 = arith.constant 3 : i32
        %get3A_107 = arith.index_cast %get3A_106 : i32 to index
        %get3A_108 = arith.index_cast %scan3A_67 : i32 to index
        %get3A_109 = arith.index_cast %mul3A_14 : i32 to index
        %get3A_110 = tpu.vector_load %arg8[%get3A_107, %get3A_108, %get3A_109] {strides = array<i32>} : memref<5x64x128xf32, #tpu.memory_space<vmem>>, vector<1x1x16xf32>,
        %get3A_111 = vector.shape_cast %get3A_110 : vector<1x1x16xf32> to vector<16xf32>
        %mul3A_112 = arith.mulf %get3A_111, %get3A_76 : vector<16xf32>
        %sub3A_113 = arith.subf %scan3A_72, %mul3A_112 : vector<16xf32>
        %get3A_114 = arith.constant 4 : i32
        %get3A_115 = arith.index_cast %get3A_114 : i32 to index
        %get3A_116 = arith.index_cast %scan3A_67 : i32 to index
        %get3A_117 = arith.index_cast %mul3A_14 : i32 to index
        %get3A_118 = tpu.vector_load %arg8[%get3A_115, %get3A_116, %get3A_117] {strides = array<i32>} : memref<5x64x128xf32, #tpu.memory_space<vmem>>, vector<1x1x16xf32>,
        %get3A_119 = vector.shape_cast %get3A_118 : vector<1x1x16xf32> to vector<16xf32>
        %mul3A_120 = arith.mulf %get3A_119, %get3A_76 : vector<16xf32>
        %sub3A_121 = arith.subf %scan3A_73, %mul3A_120 : vector<16xf32>
        %scan3A_122 = arith.constant 1 : i32
        %scan3A_123 = arith.addi %scan3A_67, %scan3A_122 : i32
        %get3A_124 = arith.index_cast %scan3A_123 : i32 to index
        %get3A_125 = arith.index_cast %mul3A_14 : i32 to index
        %get3A_126 = tpu.vector_load %arg6[%get3A_124, %get3A_125] {strides = array<i32>} : memref<64x128xf32, #tpu.memory_space<vmem>>, vector<1x16xf32>,
        %get3A_127 = vector.shape_cast %get3A_126 : vector<1x16xf32> to vector<16xf32>
        %get3A_128 = arith.index_cast %scan3A_123 : i32 to index
        %get3A_129 = arith.index_cast %mul3A_14 : i32 to index
        %get3A_130 = tpu.vector_load %arg7[%get3A_128, %get3A_129] {strides = array<i32>} : memref<64x128xf32, #tpu.memory_space<vmem>>, vector<1x16xf32>,
        %get3A_131 = vector.shape_cast %get3A_130 : vector<1x16xf32> to vector<16xf32>
        %mul3A_132 = arith.mulf %get3A_127, %get3A_131 : vector<16xf32>
        %add3A_133 = arith.addf %add3A_82, %mul3A_132 : vector<16xf32>
        %get3A_134 = arith.constant 0 : i32
        %get3A_135 = arith.index_cast %get3A_134 : i32 to index
        %get3A_136 = arith.index_cast %scan3A_123 : i32 to index
        %get3A_137 = arith.index_cast %mul3A_14 : i32 to index
        %get3A_138 = tpu.vector_load %arg8[%get3A_135, %get3A_136, %get3A_137] {strides = array<i32>} : memref<5x64x128xf32, #tpu.memory_space<vmem>>, vector<1x1x16xf32>,
        %get3A_139 = vector.shape_cast %get3A_138 : vector<1x1x16xf32> to vector<16xf32>
        %mul3A_140 = arith.mulf %get3A_139, %get3A_127 : vector<16xf32>
        %sub3A_141 = arith.subf %sub3A, %mul3A_140 : vector<16xf32>
        %get3A_142 = arith.constant 1 : i32
        %get3A_143 = arith.index_cast %get3A_142 : i32 to index
        %get3A_144 = arith.index_cast %scan3A_123 : i32 to index
        %get3A_145 = arith.index_cast %mul3A_14 : i32 to index
        %get3A_146 = tpu.vector_load %arg8[%get3A_143, %get3A_144, %get3A_145] {strides = array<i32>} : memref<5x64x128xf32, #tpu.memory_space<vmem>>, vector<1x1x16xf32>,
        %get3A_147 = vector.shape_cast %get3A_146 : vector<1x1x16xf32> to vector<16xf32>
        %mul3A_148 = arith.mulf %get3A_147, %get3A_127 : vector<16xf32>
        %sub3A_149 = arith.subf %sub3A_97, %mul3A_148 : vector<16xf32>
        %get3A_150 = arith.constant 2 : i32
        %get3A_151 = arith.index_cast %get3A_150 : i32 to index
        %get3A_152 = arith.index_cast %scan3A_123 : i32 to index
        %get3A_153 = arith.index_cast %mul3A_14 : i32 to index
        %get3A_154 = tpu.vector_load %arg8[%get3A_151, %get3A_152, %get3A_153] {strides = array<i32>} : memref<5x64x128xf32, #tpu.memory_space<vmem>>, vector<1x1x16xf32>,
        %get3A_155 = vector.shape_cast %get3A_154 : vector<1x1x16xf32> to vector<16xf32>
        %mul3A_156 = arith.mulf %get3A_155, %get3A_127 : vector<16xf32>
        %sub3A_157 = arith.subf %sub3A_105, %mul3A_156 : vector<16xf32>
        %get3A_158 = arith.constant 3 : i32
        %get3A_159 = arith.index_cast %get3A_158 : i32 to index
        %get3A_160 = arith.index_cast %scan3A_123 : i32 to index
        %get3A_161 = arith.index_cast %mul3A_14 : i32 to index
        %get3A_162 = tpu.vector_load %arg8[%get3A_159, %get3A_160, %get3A_161] {strides = array<i32>} : memref<5x64x128xf32, #tpu.memory_space<vmem>>, vector<1x1x16xf32>,
        %get3A_163 = vector.shape_cast %get3A_162 : vector<1x1x16xf32> to vector<16xf32>
        %mul3A_164 = arith.mulf %get3A_163, %get3A_127 : vector<16xf32>
        %sub3A_165 = arith.subf %sub3A_113, %mul3A_164 : vector<16xf32>
        %get3A_166 = arith.constant 4 : i32
        %get3A_167 = arith.index_cast %get3A_166 : i32 to index
        %get3A_168 = arith.index_cast %scan3A_123 : i32 to index
        %get3A_169 = arith.index_cast %mul3A_14 : i32 to index
        %get3A_170 = tpu.vector_load %arg8[%get3A_167, %get3A_168, %get3A_169] {strides = array<i32>} : memref<5x64x128xf32, #tpu.memory_space<vmem>>, vector<1x1x16xf32>,
        %get3A_171 = vector.shape_cast %get3A_170 : vector<1x1x16xf32> to vector<16xf32>
        %mul3A_172 = arith.mulf %get3A_171, %get3A_127 : vector<16xf32>
        %sub3A_173 = arith.subf %sub3A_121, %mul3A_172 : vector<16xf32>
        %scan3A_174 = arith.constant 2 : i32
        %scan3A_175 = arith.addi %scan3A_67, %scan3A_174 : i32
        %get3A_176 = arith.index_cast %scan3A_175 : i32 to index
        %get3A_177 = arith.index_cast %mul3A_14 : i32 to index
        %get3A_178 = tpu.vector_load %arg6[%get3A_176, %get3A_177] {strides = array<i32>} : memref<64x128xf32, #tpu.memory_space<vmem>>, vector<1x16xf32>,
        %get3A_179 = vector.shape_cast %get3A_178 : vector<1x16xf32> to vector<16xf32>
        %get3A_180 = arith.index_cast %scan3A_175 : i32 to index
        %get3A_181 = arith.index_cast %mul3A_14 : i32 to index
        %get3A_182 = tpu.vector_load %arg7[%get3A_180, %get3A_181] {strides = array<i32>} : memref<64x128xf32, #tpu.memory_space<vmem>>, vector<1x16xf32>,
        %get3A_183 = vector.shape_cast %get3A_182 : vector<1x16xf32> to vector<16xf32>
        %mul3A_184 = arith.mulf %get3A_179, %get3A_183 : vector<16xf32>
        %add3A_185 = arith.addf %add3A_133, %mul3A_184 : vector<16xf32>
        %get3A_186 = arith.constant 0 : i32
        %get3A_187 = arith.index_cast %get3A_186 : i32 to index
        %get3A_188 = arith.index_cast %scan3A_175 : i32 to index
        %get3A_189 = arith.index_cast %mul3A_14 : i32 to index
        %get3A_190 = tpu.vector_load %arg8[%get3A_187, %get3A_188, %get3A_189] {strides = array<i32>} : memref<5x64x128xf32, #tpu.memory_space<vmem>>, vector<1x1x16xf32>,
        %get3A_191 = vector.shape_cast %get3A_190 : vector<1x1x16xf32> to vector<16xf32>
        %mul3A_192 = arith.mulf %get3A_191, %get3A_179 : vector<16xf32>
        %sub3A_193 = arith.subf %sub3A_141, %mul3A_192 : vector<16xf32>
        %get3A_194 = arith.constant 1 : i32
        %get3A_195 = arith.index_cast %get3A_194 : i32 to index
        %get3A_196 = arith.index_cast %scan3A_175 : i32 to index
        %get3A_197 = arith.index_cast %mul3A_14 : i32 to index
        %get3A_198 = tpu.vector_load %arg8[%get3A_195, %get3A_196, %get3A_197] {strides = array<i32>} : memref<5x64x128xf32, #tpu.memory_space<vmem>>, vector<1x1x16xf32>,
        %get3A_199 = vector.shape_cast %get3A_198 : vector<1x1x16xf32> to vector<16xf32>
        %mul3A_200 = arith.mulf %get3A_199, %get3A_179 : vector<16xf32>
        %sub3A_201 = arith.subf %sub3A_149, %mul3A_200 : vector<16xf32>
        %get3A_202 = arith.constant 2 : i32
        %get3A_203 = arith.index_cast %get3A_202 : i32 to index
        %get3A_204 = arith.index_cast %scan3A_175 : i32 to index
        %get3A_205 = arith.index_cast %mul3A_14 : i32 to index
        %get3A_206 = tpu.vector_load %arg8[%get3A_203, %get3A_204, %get3A_205] {strides = array<i32>} : memref<5x64x128xf32, #tpu.memory_space<vmem>>, vector<1x1x16xf32>,
        %get3A_207 = vector.shape_cast %get3A_206 : vector<1x1x16xf32> to vector<16xf32>
        %mul3A_208 = arith.mulf %get3A_207, %get3A_179 : vector<16xf32>
        %sub3A_209 = arith.subf %sub3A_157, %mul3A_208 : vector<16xf32>
        %get3A_210 = arith.constant 3 : i32
        %get3A_211 = arith.index_cast %get3A_210 : i32 to index
        %get3A_212 = arith.index_cast %scan3A_175 : i32 to index
        %get3A_213 = arith.index_cast %mul3A_14 : i32 to index
        %get3A_214 = tpu.vector_load %arg8[%get3A_211, %get3A_212, %get3A_213] {strides = array<i32>} : memref<5x64x128xf32, #tpu.memory_space<vmem>>, vector<1x1x16xf32>,
        %get3A_215 = vector.shape_cast %get3A_214 : vector<1x1x16xf32> to vector<16xf32>
        %mul3A_216 = arith.mulf %get3A_215, %get3A_179 : vector<16xf32>
        %sub3A_217 = arith.subf %sub3A_165, %mul3A_216 : vector<16xf32>
        %get3A_218 = arith.constant 4 : i32
        %get3A_219 = arith.index_cast %get3A_218 : i32 to index
        %get3A_220 = arith.index_cast %scan3A_175 : i32 to index
        %get3A_221 = arith.index_cast %mul3A_14 : i32 to index
        %get3A_222 = tpu.vector_load %arg8[%get3A_219, %get3A_220, %get3A_221] {strides = array<i32>} : memref<5x64x128xf32, #tpu.memory_space<vmem>>, vector<1x1x16xf32>,
        %get3A_223 = vector.shape_cast %get3A_222 : vector<1x1x16xf32> to vector<16xf32>
        %mul3A_224 = arith.mulf %get3A_223, %get3A_179 : vector<16xf32>
        %sub3A_225 = arith.subf %sub3A_173, %mul3A_224 : vector<16xf32>
        %scan3A_226 = arith.constant 3 : i32
        %scan3A_227 = arith.addi %scan3A_67, %scan3A_226 : i32
        %get3A_228 = arith.index_cast %scan3A_227 : i32 to index
        %get3A_229 = arith.index_cast %mul3A_14 : i32 to index
        %get3A_230 = tpu.vector_load %arg6[%get3A_228, %get3A_229] {strides = array<i32>} : memref<64x128xf32, #tpu.memory_space<vmem>>, vector<1x16xf32>,
        %get3A_231 = vector.shape_cast %get3A_230 : vector<1x16xf32> to vector<16xf32>
        %get3A_232 = arith.index_cast %scan3A_227 : i32 to index
        %get3A_233 = arith.index_cast %mul3A_14 : i32 to index
        %get3A_234 = tpu.vector_load %arg7[%get3A_232, %get3A_233] {strides = array<i32>} : memref<64x128xf32, #tpu.memory_space<vmem>>, vector<1x16xf32>,
        %get3A_235 = vector.shape_cast %get3A_234 : vector<1x16xf32> to vector<16xf32>
        %mul3A_236 = arith.mulf %get3A_231, %get3A_235 : vector<16xf32>
        %add3A_237 = arith.addf %add3A_185, %mul3A_236 : vector<16xf32>
        %get3A_238 = arith.constant 0 : i32
        %get3A_239 = arith.index_cast %get3A_238 : i32 to index
        %get3A_240 = arith.index_cast %scan3A_227 : i32 to index
        %get3A_241 = arith.index_cast %mul3A_14 : i32 to index
        %get3A_242 = tpu.vector_load %arg8[%get3A_239, %get3A_240, %get3A_241] {strides = array<i32>} : memref<5x64x128xf32, #tpu.memory_space<vmem>>, vector<1x1x16xf32>,
        %get3A_243 = vector.shape_cast %get3A_242 : vector<1x1x16xf32> to vector<16xf32>
        %mul3A_244 = arith.mulf %get3A_243, %get3A_231 : vector<16xf32>
        %sub3A_245 = arith.subf %sub3A_193, %mul3A_244 : vector<16xf32>
        %get3A_246 = arith.constant 1 : i32
        %get3A_247 = arith.index_cast %get3A_246 : i32 to index
        %get3A_248 = arith.index_cast %scan3A_227 : i32 to index
        %get3A_249 = arith.index_cast %mul3A_14 : i32 to index
        %get3A_250 = tpu.vector_load %arg8[%get3A_247, %get3A_248, %get3A_249] {strides = array<i32>} : memref<5x64x128xf32, #tpu.memory_space<vmem>>, vector<1x1x16xf32>,
        %get3A_251 = vector.shape_cast %get3A_250 : vector<1x1x16xf32> to vector<16xf32>
        %mul3A_252 = arith.mulf %get3A_251, %get3A_231 : vector<16xf32>
        %sub3A_253 = arith.subf %sub3A_201, %mul3A_252 : vector<16xf32>
        %get3A_254 = arith.constant 2 : i32
        %get3A_255 = arith.index_cast %get3A_254 : i32 to index
        %get3A_256 = arith.index_cast %scan3A_227 : i32 to index
        %get3A_257 = arith.index_cast %mul3A_14 : i32 to index
        %get3A_258 = tpu.vector_load %arg8[%get3A_255, %get3A_256, %get3A_257] {strides = array<i32>} : memref<5x64x128xf32, #tpu.memory_space<vmem>>, vector<1x1x16xf32>,
        %get3A_259 = vector.shape_cast %get3A_258 : vector<1x1x16xf32> to vector<16xf32>
        %mul3A_260 = arith.mulf %get3A_259, %get3A_231 : vector<16xf32>
        %sub3A_261 = arith.subf %sub3A_209, %mul3A_260 : vector<16xf32>
        %get3A_262 = arith.constant 3 : i32
        %get3A_263 = arith.index_cast %get3A_262 : i32 to index
        %get3A_264 = arith.index_cast %scan3A_227 : i32 to index
        %get3A_265 = arith.index_cast %mul3A_14 : i32 to index
        %get3A_266 = tpu.vector_load %arg8[%get3A_263, %get3A_264, %get3A_265] {strides = array<i32>} : memref<5x64x128xf32, #tpu.memory_space<vmem>>, vector<1x1x16xf32>,
        %get3A_267 = vector.shape_cast %get3A_266 : vector<1x1x16xf32> to vector<16xf32>
        %mul3A_268 = arith.mulf %get3A_267, %get3A_231 : vector<16xf32>
        %sub3A_269 = arith.subf %sub3A_217, %mul3A_268 : vector<16xf32>
        %get3A_270 = arith.constant 4 : i32
        %get3A_271 = arith.index_cast %get3A_270 : i32 to index
        %get3A_272 = arith.index_cast %scan3A_227 : i32 to index
        %get3A_273 = arith.index_cast %mul3A_14 : i32 to index
        %get3A_274 = tpu.vector_load %arg8[%get3A_271, %get3A_272, %get3A_273] {strides = array<i32>} : memref<5x64x128xf32, #tpu.memory_space<vmem>>, vector<1x1x16xf32>,
        %get3A_275 = vector.shape_cast %get3A_274 : vector<1x1x16xf32> to vector<16xf32>
        %mul3A_276 = arith.mulf %get3A_275, %get3A_231 : vector<16xf32>
        %sub3A_277 = arith.subf %sub3A_225, %mul3A_276 : vector<16xf32>
        %scan3A_278 = arith.constant 4 : i32
        %scan3A_279 = arith.addi %scan3A_67, %scan3A_278 : i32
        %get3A_280 = arith.index_cast %scan3A_279 : i32 to index
        %get3A_281 = arith.index_cast %mul3A_14 : i32 to index
        %get3A_282 = tpu.vector_load %arg6[%get3A_280, %get3A_281] {strides = array<i32>} : memref<64x128xf32, #tpu.memory_space<vmem>>, vector<1x16xf32>,
        %get3A_283 = vector.shape_cast %get3A_282 : vector<1x16xf32> to vector<16xf32>
        %get3A_284 = arith.index_cast %scan3A_279 : i32 to index
        %get3A_285 = arith.index_cast %mul3A_14 : i32 to index
        %get3A_286 = tpu.vector_load %arg7[%get3A_284, %get3A_285] {strides = array<i32>} : memref<64x128xf32, #tpu.memory_space<vmem>>, vector<1x16xf32>,
        %get3A_287 = vector.shape_cast %get3A_286 : vector<1x16xf32> to vector<16xf32>
        %mul3A_288 = arith.mulf %get3A_283, %get3A_287 : vector<16xf32>
        %add3A_289 = arith.addf %add3A_237, %mul3A_288 : vector<16xf32>
        %get3A_290 = arith.constant 0 : i32
        %get3A_291 = arith.index_cast %get3A_290 : i32 to index
        %get3A_292 = arith.index_cast %scan3A_279 : i32 to index
        %get3A_293 = arith.index_cast %mul3A_14 : i32 to index
        %get3A_294 = tpu.vector_load %arg8[%get3A_291, %get3A_292, %get3A_293] {strides = array<i32>} : memref<5x64x128xf32, #tpu.memory_space<vmem>>, vector<1x1x16xf32>,
        %get3A_295 = vector.shape_cast %get3A_294 : vector<1x1x16xf32> to vector<16xf32>
        %mul3A_296 = arith.mulf %get3A_295, %get3A_283 : vector<16xf32>
        %sub3A_297 = arith.subf %sub3A_245, %mul3A_296 : vector<16xf32>
        %get3A_298 = arith.constant 1 : i32
        %get3A_299 = arith.index_cast %get3A_298 : i32 to index
        %get3A_300 = arith.index_cast %scan3A_279 : i32 to index
        %get3A_301 = arith.index_cast %mul3A_14 : i32 to index
        %get3A_302 = tpu.vector_load %arg8[%get3A_299, %get3A_300, %get3A_301] {strides = array<i32>} : memref<5x64x128xf32, #tpu.memory_space<vmem>>, vector<1x1x16xf32>,
        %get3A_303 = vector.shape_cast %get3A_302 : vector<1x1x16xf32> to vector<16xf32>
        %mul3A_304 = arith.mulf %get3A_303, %get3A_283 : vector<16xf32>
        %sub3A_305 = arith.subf %sub3A_253, %mul3A_304 : vector<16xf32>
        %get3A_306 = arith.constant 2 : i32
        %get3A_307 = arith.index_cast %get3A_306 : i32 to index
        %get3A_308 = arith.index_cast %scan3A_279 : i32 to index
        %get3A_309 = arith.index_cast %mul3A_14 : i32 to index
        %get3A_310 = tpu.vector_load %arg8[%get3A_307, %get3A_308, %get3A_309] {strides = array<i32>} : memref<5x64x128xf32, #tpu.memory_space<vmem>>, vector<1x1x16xf32>,
        %get3A_311 = vector.shape_cast %get3A_310 : vector<1x1x16xf32> to vector<16xf32>
        %mul3A_312 = arith.mulf %get3A_311, %get3A_283 : vector<16xf32>
        %sub3A_313 = arith.subf %sub3A_261, %mul3A_312 : vector<16xf32>
        %get3A_314 = arith.constant 3 : i32
        %get3A_315 = arith.index_cast %get3A_314 : i32 to index
        %get3A_316 = arith.index_cast %scan3A_279 : i32 to index
        %get3A_317 = arith.index_cast %mul3A_14 : i32 to index
        %get3A_318 = tpu.vector_load %arg8[%get3A_315, %get3A_316, %get3A_317] {strides = array<i32>} : memref<5x64x128xf32, #tpu.memory_space<vmem>>, vector<1x1x16xf32>,
        %get3A_319 = vector.shape_cast %get3A_318 : vector<1x1x16xf32> to vector<16xf32>
        %mul3A_320 = arith.mulf %get3A_319, %get3A_283 : vector<16xf32>
        %sub3A_321 = arith.subf %sub3A_269, %mul3A_320 : vector<16xf32>
        %get3A_322 = arith.constant 4 : i32
        %get3A_323 = arith.index_cast %get3A_322 : i32 to index
        %get3A_324 = arith.index_cast %scan3A_279 : i32 to index
        %get3A_325 = arith.index_cast %mul3A_14 : i32 to index
        %get3A_326 = tpu.vector_load %arg8[%get3A_323, %get3A_324, %get3A_325] {strides = array<i32>} : memref<5x64x128xf32, #tpu.memory_space<vmem>>, vector<1x1x16xf32>,
        %get3A_327 = vector.shape_cast %get3A_326 : vector<1x1x16xf32> to vector<16xf32>
        %mul3A_328 = arith.mulf %get3A_327, %get3A_283 : vector<16xf32>
        %sub3A_329 = arith.subf %sub3A_277, %mul3A_328 : vector<16xf32>
        %scan3A_330 = arith.constant 5 : i32
        %scan3A_331 = arith.addi %scan3A_67, %scan3A_330 : i32
        %get3A_332 = arith.index_cast %scan3A_331 : i32 to index
        %get3A_333 = arith.index_cast %mul3A_14 : i32 to index
        %get3A_334 = tpu.vector_load %arg6[%get3A_332, %get3A_333] {strides = array<i32>} : memref<64x128xf32, #tpu.memory_space<vmem>>, vector<1x16xf32>,
        %get3A_335 = vector.shape_cast %get3A_334 : vector<1x16xf32> to vector<16xf32>
        %get3A_336 = arith.index_cast %scan3A_331 : i32 to index
        %get3A_337 = arith.index_cast %mul3A_14 : i32 to index
        %get3A_338 = tpu.vector_load %arg7[%get3A_336, %get3A_337] {strides = array<i32>} : memref<64x128xf32, #tpu.memory_space<vmem>>, vector<1x16xf32>,
        %get3A_339 = vector.shape_cast %get3A_338 : vector<1x16xf32> to vector<16xf32>
        %mul3A_340 = arith.mulf %get3A_335, %get3A_339 : vector<16xf32>
        %add3A_341 = arith.addf %add3A_289, %mul3A_340 : vector<16xf32>
        %get3A_342 = arith.constant 0 : i32
        %get3A_343 = arith.index_cast %get3A_342 : i32 to index
        %get3A_344 = arith.index_cast %scan3A_331 : i32 to index
        %get3A_345 = arith.index_cast %mul3A_14 : i32 to index
        %get3A_346 = tpu.vector_load %arg8[%get3A_343, %get3A_344, %get3A_345] {strides = array<i32>} : memref<5x64x128xf32, #tpu.memory_space<vmem>>, vector<1x1x16xf32>,
        %get3A_347 = vector.shape_cast %get3A_346 : vector<1x1x16xf32> to vector<16xf32>
        %mul3A_348 = arith.mulf %get3A_347, %get3A_335 : vector<16xf32>
        %sub3A_349 = arith.subf %sub3A_297, %mul3A_348 : vector<16xf32>
        %get3A_350 = arith.constant 1 : i32
        %get3A_351 = arith.index_cast %get3A_350 : i32 to index
        %get3A_352 = arith.index_cast %scan3A_331 : i32 to index
        %get3A_353 = arith.index_cast %mul3A_14 : i32 to index
        %get3A_354 = tpu.vector_load %arg8[%get3A_351, %get3A_352, %get3A_353] {strides = array<i32>} : memref<5x64x128xf32, #tpu.memory_space<vmem>>, vector<1x1x16xf32>,
        %get3A_355 = vector.shape_cast %get3A_354 : vector<1x1x16xf32> to vector<16xf32>
        %mul3A_356 = arith.mulf %get3A_355, %get3A_335 : vector<16xf32>
        %sub3A_357 = arith.subf %sub3A_305, %mul3A_356 : vector<16xf32>
        %get3A_358 = arith.constant 2 : i32
        %get3A_359 = arith.index_cast %get3A_358 : i32 to index
        %get3A_360 = arith.index_cast %scan3A_331 : i32 to index
        %get3A_361 = arith.index_cast %mul3A_14 : i32 to index
        %get3A_362 = tpu.vector_load %arg8[%get3A_359, %get3A_360, %get3A_361] {strides = array<i32>} : memref<5x64x128xf32, #tpu.memory_space<vmem>>, vector<1x1x16xf32>,
        %get3A_363 = vector.shape_cast %get3A_362 : vector<1x1x16xf32> to vector<16xf32>
        %mul3A_364 = arith.mulf %get3A_363, %get3A_335 : vector<16xf32>
        %sub3A_365 = arith.subf %sub3A_313, %mul3A_364 : vector<16xf32>
        %get3A_366 = arith.constant 3 : i32
        %get3A_367 = arith.index_cast %get3A_366 : i32 to index
        %get3A_368 = arith.index_cast %scan3A_331 : i32 to index
        %get3A_369 = arith.index_cast %mul3A_14 : i32 to index
        %get3A_370 = tpu.vector_load %arg8[%get3A_367, %get3A_368, %get3A_369] {strides = array<i32>} : memref<5x64x128xf32, #tpu.memory_space<vmem>>, vector<1x1x16xf32>,
        %get3A_371 = vector.shape_cast %get3A_370 : vector<1x1x16xf32> to vector<16xf32>
        %mul3A_372 = arith.mulf %get3A_371, %get3A_335 : vector<16xf32>
        %sub3A_373 = arith.subf %sub3A_321, %mul3A_372 : vector<16xf32>
        %get3A_374 = arith.constant 4 : i32
        %get3A_375 = arith.index_cast %get3A_374 : i32 to index
        %get3A_376 = arith.index_cast %scan3A_331 : i32 to index
        %get3A_377 = arith.index_cast %mul3A_14 : i32 to index
        %get3A_378 = tpu.vector_load %arg8[%get3A_375, %get3A_376, %get3A_377] {strides = array<i32>} : memref<5x64x128xf32, #tpu.memory_space<vmem>>, vector<1x1x16xf32>,
        %get3A_379 = vector.shape_cast %get3A_378 : vector<1x1x16xf32> to vector<16xf32>
        %mul3A_380 = arith.mulf %get3A_379, %get3A_335 : vector<16xf32>
        %sub3A_381 = arith.subf %sub3A_329, %mul3A_380 : vector<16xf32>
        %scan3A_382 = arith.constant 6 : i32
        %scan3A_383 = arith.addi %scan3A_67, %scan3A_382 : i32
        %get3A_384 = arith.index_cast %scan3A_383 : i32 to index
        %get3A_385 = arith.index_cast %mul3A_14 : i32 to index
        %get3A_386 = tpu.vector_load %arg6[%get3A_384, %get3A_385] {strides = array<i32>} : memref<64x128xf32, #tpu.memory_space<vmem>>, vector<1x16xf32>,
        %get3A_387 = vector.shape_cast %get3A_386 : vector<1x16xf32> to vector<16xf32>
        %get3A_388 = arith.index_cast %scan3A_383 : i32 to index
        %get3A_389 = arith.index_cast %mul3A_14 : i32 to index
        %get3A_390 = tpu.vector_load %arg7[%get3A_388, %get3A_389] {strides = array<i32>} : memref<64x128xf32, #tpu.memory_space<vmem>>, vector<1x16xf32>,
        %get3A_391 = vector.shape_cast %get3A_390 : vector<1x16xf32> to vector<16xf32>
        %mul3A_392 = arith.mulf %get3A_387, %get3A_391 : vector<16xf32>
        %add3A_393 = arith.addf %add3A_341, %mul3A_392 : vector<16xf32>
        %get3A_394 = arith.constant 0 : i32
        %get3A_395 = arith.index_cast %get3A_394 : i32 to index
        %get3A_396 = arith.index_cast %scan3A_383 : i32 to index
        %get3A_397 = arith.index_cast %mul3A_14 : i32 to index
        %get3A_398 = tpu.vector_load %arg8[%get3A_395, %get3A_396, %get3A_397] {strides = array<i32>} : memref<5x64x128xf32, #tpu.memory_space<vmem>>, vector<1x1x16xf32>,
        %get3A_399 = vector.shape_cast %get3A_398 : vector<1x1x16xf32> to vector<16xf32>
        %mul3A_400 = arith.mulf %get3A_399, %get3A_387 : vector<16xf32>
        %sub3A_401 = arith.subf %sub3A_349, %mul3A_400 : vector<16xf32>
        %get3A_402 = arith.constant 1 : i32
        %get3A_403 = arith.index_cast %get3A_402 : i32 to index
        %get3A_404 = arith.index_cast %scan3A_383 : i32 to index
        %get3A_405 = arith.index_cast %mul3A_14 : i32 to index
        %get3A_406 = tpu.vector_load %arg8[%get3A_403, %get3A_404, %get3A_405] {strides = array<i32>} : memref<5x64x128xf32, #tpu.memory_space<vmem>>, vector<1x1x16xf32>,
        %get3A_407 = vector.shape_cast %get3A_406 : vector<1x1x16xf32> to vector<16xf32>
        %mul3A_408 = arith.mulf %get3A_407, %get3A_387 : vector<16xf32>
        %sub3A_409 = arith.subf %sub3A_357, %mul3A_408 : vector<16xf32>
        %get3A_410 = arith.constant 2 : i32
        %get3A_411 = arith.index_cast %get3A_410 : i32 to index
        %get3A_412 = arith.index_cast %scan3A_383 : i32 to index
        %get3A_413 = arith.index_cast %mul3A_14 : i32 to index
        %get3A_414 = tpu.vector_load %arg8[%get3A_411, %get3A_412, %get3A_413] {strides = array<i32>} : memref<5x64x128xf32, #tpu.memory_space<vmem>>, vector<1x1x16xf32>,
        %get3A_415 = vector.shape_cast %get3A_414 : vector<1x1x16xf32> to vector<16xf32>
        %mul3A_416 = arith.mulf %get3A_415, %get3A_387 : vector<16xf32>
        %sub3A_417 = arith.subf %sub3A_365, %mul3A_416 : vector<16xf32>
        %get3A_418 = arith.constant 3 : i32
        %get3A_419 = arith.index_cast %get3A_418 : i32 to index
        %get3A_420 = arith.index_cast %scan3A_383 : i32 to index
        %get3A_421 = arith.index_cast %mul3A_14 : i32 to index
        %get3A_422 = tpu.vector_load %arg8[%get3A_419, %get3A_420, %get3A_421] {strides = array<i32>} : memref<5x64x128xf32, #tpu.memory_space<vmem>>, vector<1x1x16xf32>,
        %get3A_423 = vector.shape_cast %get3A_422 : vector<1x1x16xf32> to vector<16xf32>
        %mul3A_424 = arith.mulf %get3A_423, %get3A_387 : vector<16xf32>
        %sub3A_425 = arith.subf %sub3A_373, %mul3A_424 : vector<16xf32>
        %get3A_426 = arith.constant 4 : i32
        %get3A_427 = arith.index_cast %get3A_426 : i32 to index
        %get3A_428 = arith.index_cast %scan3A_383 : i32 to index
        %get3A_429 = arith.index_cast %mul3A_14 : i32 to index
        %get3A_430 = tpu.vector_load %arg8[%get3A_427, %get3A_428, %get3A_429] {strides = array<i32>} : memref<5x64x128xf32, #tpu.memory_space<vmem>>, vector<1x1x16xf32>,
        %get3A_431 = vector.shape_cast %get3A_430 : vector<1x1x16xf32> to vector<16xf32>
        %mul3A_432 = arith.mulf %get3A_431, %get3A_387 : vector<16xf32>
        %sub3A_433 = arith.subf %sub3A_381, %mul3A_432 : vector<16xf32>
        %scan3A_434 = arith.constant 7 : i32
        %scan3A_435 = arith.addi %scan3A_67, %scan3A_434 : i32
        %get3A_436 = arith.index_cast %scan3A_435 : i32 to index
        %get3A_437 = arith.index_cast %mul3A_14 : i32 to index
        %get3A_438 = tpu.vector_load %arg6[%get3A_436, %get3A_437] {strides = array<i32>} : memref<64x128xf32, #tpu.memory_space<vmem>>, vector<1x16xf32>,
        %get3A_439 = vector.shape_cast %get3A_438 : vector<1x16xf32> to vector<16xf32>
        %get3A_440 = arith.index_cast %scan3A_435 : i32 to index
        %get3A_441 = arith.index_cast %mul3A_14 : i32 to index
        %get3A_442 = tpu.vector_load %arg7[%get3A_440, %get3A_441] {strides = array<i32>} : memref<64x128xf32, #tpu.memory_space<vmem>>, vector<1x16xf32>,
        %get3A_443 = vector.shape_cast %get3A_442 : vector<1x16xf32> to vector<16xf32>
        %mul3A_444 = arith.mulf %get3A_439, %get3A_443 : vector<16xf32>
        %add3A_445 = arith.addf %add3A_393, %mul3A_444 : vector<16xf32>
        %get3A_446 = arith.constant 0 : i32
        %get3A_447 = arith.index_cast %get3A_446 : i32 to index
        %get3A_448 = arith.index_cast %scan3A_435 : i32 to index
        %get3A_449 = arith.index_cast %mul3A_14 : i32 to index
        %get3A_450 = tpu.vector_load %arg8[%get3A_447, %get3A_448, %get3A_449] {strides = array<i32>} : memref<5x64x128xf32, #tpu.memory_space<vmem>>, vector<1x1x16xf32>,
        %get3A_451 = vector.shape_cast %get3A_450 : vector<1x1x16xf32> to vector<16xf32>
        %mul3A_452 = arith.mulf %get3A_451, %get3A_439 : vector<16xf32>
        %sub3A_453 = arith.subf %sub3A_401, %mul3A_452 : vector<16xf32>
        %get3A_454 = arith.constant 1 : i32
        %get3A_455 = arith.index_cast %get3A_454 : i32 to index
        %get3A_456 = arith.index_cast %scan3A_435 : i32 to index
        %get3A_457 = arith.index_cast %mul3A_14 : i32 to index
        %get3A_458 = tpu.vector_load %arg8[%get3A_455, %get3A_456, %get3A_457] {strides = array<i32>} : memref<5x64x128xf32, #tpu.memory_space<vmem>>, vector<1x1x16xf32>,
        %get3A_459 = vector.shape_cast %get3A_458 : vector<1x1x16xf32> to vector<16xf32>
        %mul3A_460 = arith.mulf %get3A_459, %get3A_439 : vector<16xf32>
        %sub3A_461 = arith.subf %sub3A_409, %mul3A_460 : vector<16xf32>
        %get3A_462 = arith.constant 2 : i32
        %get3A_463 = arith.index_cast %get3A_462 : i32 to index
        %get3A_464 = arith.index_cast %scan3A_435 : i32 to index
        %get3A_465 = arith.index_cast %mul3A_14 : i32 to index
        %get3A_466 = tpu.vector_load %arg8[%get3A_463, %get3A_464, %get3A_465] {strides = array<i32>} : memref<5x64x128xf32, #tpu.memory_space<vmem>>, vector<1x1x16xf32>,
        %get3A_467 = vector.shape_cast %get3A_466 : vector<1x1x16xf32> to vector<16xf32>
        %mul3A_468 = arith.mulf %get3A_467, %get3A_439 : vector<16xf32>
        %sub3A_469 = arith.subf %sub3A_417, %mul3A_468 : vector<16xf32>
        %get3A_470 = arith.constant 3 : i32
        %get3A_471 = arith.index_cast %get3A_470 : i32 to index
        %get3A_472 = arith.index_cast %scan3A_435 : i32 to index
        %get3A_473 = arith.index_cast %mul3A_14 : i32 to index
        %get3A_474 = tpu.vector_load %arg8[%get3A_471, %get3A_472, %get3A_473] {strides = array<i32>} : memref<5x64x128xf32, #tpu.memory_space<vmem>>, vector<1x1x16xf32>,
        %get3A_475 = vector.shape_cast %get3A_474 : vector<1x1x16xf32> to vector<16xf32>
        %mul3A_476 = arith.mulf %get3A_475, %get3A_439 : vector<16xf32>
        %sub3A_477 = arith.subf %sub3A_425, %mul3A_476 : vector<16xf32>
        %get3A_478 = arith.constant 4 : i32
        %get3A_479 = arith.index_cast %get3A_478 : i32 to index
        %get3A_480 = arith.index_cast %scan3A_435 : i32 to index
        %get3A_481 = arith.index_cast %mul3A_14 : i32 to index
        %get3A_482 = tpu.vector_load %arg8[%get3A_479, %get3A_480, %get3A_481] {strides = array<i32>} : memref<5x64x128xf32, #tpu.memory_space<vmem>>, vector<1x1x16xf32>,
        %get3A_483 = vector.shape_cast %get3A_482 : vector<1x1x16xf32> to vector<16xf32>
        %mul3A_484 = arith.mulf %get3A_483, %get3A_439 : vector<16xf32>
        %sub3A_485 = arith.subf %sub3A_433, %mul3A_484 : vector<16xf32>
        scf.yield %add3A_445, %sub3A_453, %sub3A_461, %sub3A_469, %sub3A_477, %sub3A_485 : vector<16xf32>, vector<16xf32>, vector<16xf32>, vector<16xf32>, vector<16xf32>, vector<16xf32>
      }
      %scan3A_31 = arith.constant 64 : i32
      %swap3A = arith.constant 0 : i32
      %swap3A_32 = arith.index_cast %swap3A : i32 to index
      %swap3A_33 = arith.index_cast %mul3A_14 : i32 to index
      %swap3A_34 = tpu.vector_load %arg9[%swap3A_32, %swap3A_33] {strides = array<i32>} : memref<6x128xf32, #tpu.memory_space<vmem>>, vector<1x16xf32>,
      %swap3A_35 = vector.shape_cast %swap3A_34 : vector<1x16xf32> to vector<16xf32>
      %swap3A_36 = vector.shape_cast %scan3A_30#0 : vector<16xf32> to vector<1x16xf32>
      tpu.vector_store %arg9[%swap3A_32, %swap3A_33], %swap3A_36 {strides = array<i32>} : memref<6x128xf32, #tpu.memory_space<vmem>>, vector<1x16xf32>,
      %swap3A_37 = arith.constant 1 : i32
      %swap3A_38 = arith.index_cast %swap3A_37 : i32 to index
      %swap3A_39 = arith.index_cast %mul3A_14 : i32 to index
      %swap3A_40 = tpu.vector_load %arg9[%swap3A_38, %swap3A_39] {strides = array<i32>} : memref<6x128xf32, #tpu.memory_space<vmem>>, vector<1x16xf32>,
      %swap3A_41 = vector.shape_cast %swap3A_40 : vector<1x16xf32> to vector<16xf32>
      %swap3A_42 = vector.shape_cast %scan3A_30#1 : vector<16xf32> to vector<1x16xf32>
      tpu.vector_store %arg9[%swap3A_38, %swap3A_39], %swap3A_42 {strides = array<i32>} : memref<6x128xf32, #tpu.memory_space<vmem>>, vector<1x16xf32>,
      %swap3A_43 = arith.constant 2 : i32
      %swap3A_44 = arith.index_cast %swap3A_43 : i32 to index
      %swap3A_45 = arith.index_cast %mul3A_14 : i32 to index
      %swap3A_46 = tpu.vector_load %arg9[%swap3A_44, %swap3A_45] {strides = array<i32>} : memref<6x128xf32, #tpu.memory_space<vmem>>, vector<1x16xf32>,
      %swap3A_47 = vector.shape_cast %swap3A_46 : vector<1x16xf32> to vector<16xf32>
      %swap3A_48 = vector.shape_cast %scan3A_30#2 : vector<16xf32> to vector<1x16xf32>
      tpu.vector_store %arg9[%swap3A_44, %swap3A_45], %swap3A_48 {strides = array<i32>} : memref<6x128xf32, #tpu.memory_space<vmem>>, vector<1x16xf32>,
      %swap3A_49 = arith.constant 3 : i32
      %swap3A_50 = arith.index_cast %swap3A_49 : i32 to index
      %swap3A_51 = arith.index_cast %mul3A_14 : i32 to index
      %swap3A_52 = tpu.vector_load %arg9[%swap3A_50, %swap3A_51] {strides = array<i32>} : memref<6x128xf32, #tpu.memory_space<vmem>>, vector<1x16xf32>,
      %swap3A_53 = vector.shape_cast %swap3A_52 : vector<1x16xf32> to vector<16xf32>
      %swap3A_54 = vector.shape_cast %scan3A_30#3 : vector<16xf32> to vector<1x16xf32>
      tpu.vector_store %arg9[%swap3A_50, %swap3A_51], %swap3A_54 {strides = array<i32>} : memref<6x128xf32, #tpu.memory_space<vmem>>, vector<1x16xf32>,
      %swap3A_55 = arith.constant 4 : i32
      %swap3A_56 = arith.index_cast %swap3A_55 : i32 to index
      %swap3A_57 = arith.index_cast %mul3A_14 : i32 to index
      %swap3A_58 = tpu.vector_load %arg9[%swap3A_56, %swap3A_57] {strides = array<i32>} : memref<6x128xf32, #tpu.memory_space<vmem>>, vector<1x16xf32>,
      %swap3A_59 = vector.shape_cast %swap3A_58 : vector<1x16xf32> to vector<16xf32>
      %swap3A_60 = vector.shape_cast %scan3A_30#4 : vector<16xf32> to vector<1x16xf32>
      tpu.vector_store %arg9[%swap3A_56, %swap3A_57], %swap3A_60 {strides = array<i32>} : memref<6x128xf32, #tpu.memory_space<vmem>>, vector<1x16xf32>,
      %swap3A_61 = arith.constant 5 : i32
      %swap3A_62 = arith.index_cast %swap3A_61 : i32 to index
      %swap3A_63 = arith.index_cast %mul3A_14 : i32 to index
      %swap3A_64 = tpu.vector_load %arg9[%swap3A_62, %swap3A_63] {strides = array<i32>} : memref<6x128xf32, #tpu.memory_space<vmem>>, vector<1x16xf32>,
      %swap3A_65 = vector.shape_cast %swap3A_64 : vector<1x16xf32> to vector<16xf32>
      %swap3A_66 = vector.shape_cast %scan3A_30#5 : vector<16xf32> to vector<1x16xf32>
      tpu.vector_store %arg9[%swap3A_62, %swap3A_63], %swap3A_66 {strides = array<i32>} : memref<6x128xf32, #tpu.memory_space<vmem>>, vector<1x16xf32>,
    }
    %scan3A_9 = arith.constant 8 : i32
    %mul3A_10 = arith.constant 128 : i32
    %mul3A_11 = arith.muli %add3A, %mul3A_10 : i32
    "tpu.region"() ({
      %run_scoped3A = tpu.sem_alloc : memref<!tpu.dma_semaphore, #tpu.memory_space<semaphore_mem>>
      %dma_start3A = arith.constant 0 : i32
      %dma_start3A_12 = tpu.memref_slice %arg5[%dma_start3A, %mul3A_11] : memref<6x4096xf32, #tpu.memory_space<hbm>> -> memref<6x128xf32, #tpu.memory_space<hbm>>
      %dma_start3A_13 = arith.constant 0 : i32
      %dma_start3A_14 = tpu.memref_slice %arg5[%dma_start3A_13, %mul3A_11] : memref<6x4096xf32, #tpu.memory_space<hbm>> -> memref<6x128xf32, #tpu.memory_space<hbm>>
      tpu.enqueue_dma source(%arg9 : memref<6x128xf32, #tpu.memory_space<vmem>>) target(%dma_start3A_14 : memref<6x128xf32, #tpu.memory_space<hbm>>) target_semaphore(%run_scoped3A : memref<!tpu.dma_semaphore, #tpu.memory_space<semaphore_mem>>)
      %dma_wait3A = arith.constant 0 : i32
      %dma_wait3A_15 = tpu.memref_slice %arg5[%dma_wait3A, %mul3A_11] : memref<6x4096xf32, #tpu.memory_space<hbm>> -> memref<6x128xf32, #tpu.memory_space<hbm>>
      %dma_wait3A_16 = arith.constant 0 : i32
      %dma_wait3A_17 = tpu.memref_slice %arg5[%dma_wait3A_16, %mul3A_11] : memref<6x4096xf32, #tpu.memory_space<hbm>> -> memref<6x128xf32, #tpu.memory_space<hbm>>
      tpu.wait_dma2 semaphore(%run_scoped3A : memref<!tpu.dma_semaphore, #tpu.memory_space<semaphore_mem>>) src(%arg9 : memref<6x128xf32, #tpu.memory_space<vmem>>) dst(%dma_wait3A_17 : memref<6x128xf32, #tpu.memory_space<hbm>>)
      tpu.yield
    }) : () -> ()
    return
  }
}

module attributes {stable_mosaic.version = 14 : i64} {
  func.func @_finish_body(%arg0: memref<6x4096xf32, #tpu.memory_space<vmem>>, %arg1: memref<1x1xf32, #tpu.memory_space<smem>>, %arg2: memref<1x1xf32, #tpu.memory_space<smem>>) attributes {dimension_semantics = [], scalar_prefetch = 0 : i64, scratch_operands = 0 : i64, tpu.core_type = #tpu.core_type<tc>} {
    %get3A = arith.constant 0 : index
    %get3A_0 = arith.constant 0 : index
    %get3A_1 = memref.load %arg1[%get3A, %get3A_0] : memref<1x1xf32, #tpu.memory_space<smem>>
    %get3A_2 = arith.constant 0 : index
    %get3A_3 = arith.constant 0 : index
    %get3A_4 = vector.load %arg0[%get3A_2, %get3A_3] : memref<6x4096xf32, #tpu.memory_space<vmem>>, vector<6x4096xf32>
    %min3A = arith.constant 0.000000e+00 : f32
    %min3A_5 = vector.broadcast %min3A : f32 to vector<6x4096xf32>
    %min3A_6 = arith.minimumf %get3A_4, %min3A_5 : vector<6x4096xf32>
    %abs3A = math.absf %get3A_4 : vector<6x4096xf32>
    %neg3A = arith.constant 0.000000e+00 : f32
    %neg3A_7 = vector.broadcast %neg3A : f32 to vector<6x4096xf32>
    %neg3A_8 = arith.subf %neg3A_7, %abs3A : vector<6x4096xf32>
    %exp3A = math.exp %neg3A_8 : vector<6x4096xf32>
    %log1p3A = math.log1p %exp3A : vector<6x4096xf32>
    %sub3A = arith.subf %min3A_6, %log1p3A : vector<6x4096xf32>
    %reduce_sum3A = vector.shape_cast %sub3A : vector<6x4096xf32> to vector<1x6x4096xf32>
    %reduce_sum3A_9 = arith.constant dense<0.000000e+00> : vector<1xf32>
    %reduce_sum3A_10 = vector.multi_reduction <add>, %reduce_sum3A, %reduce_sum3A_9 [1, 2] : vector<1x6x4096xf32> to vector<1xf32>
    %reduce_sum3A_11 = vector.shape_cast %reduce_sum3A_10 : vector<1xf32> to vector<1x1x1xf32>
    %reduce_sum3A_12 = vector.extract %reduce_sum3A_11[0, 0, 0] : f32 from vector<1x1x1xf32>
    %add3A = arith.addf %get3A_1, %reduce_sum3A_12 : f32
    %swap3A = arith.constant 0 : index
    %swap3A_13 = arith.constant 0 : index
    %swap3A_14 = memref.load %arg2[%swap3A, %swap3A_13] : memref<1x1xf32, #tpu.memory_space<smem>>
    memref.store %add3A, %arg2[%swap3A, %swap3A_13] : memref<1x1xf32, #tpu.memory_space<smem>>
    return
  }
}

module attributes {stable_mosaic.version = 14 : i64} {
  func.func @_tc_body(%arg0: i32, %arg1: memref<64x4096xf32, #tpu.memory_space<vmem>>, %arg2: memref<64x4096xf32, #tpu.memory_space<vmem>>, %arg3: memref<5x64x4096xf32, #tpu.memory_space<vmem>>, %arg4: memref<1x1xf32, #tpu.memory_space<smem>>) attributes {dimension_semantics = [#tpu.dimension_semantics<arbitrary>], iteration_bounds = array<i64: 3>, scalar_prefetch = 0 : i64, scratch_operands = 0 : i64, tpu.core_type = #tpu.core_type<tc>, window_params = [{transform_indices = @transform_0, window_bounds = array<i64: 64, 4096>}, {transform_indices = @transform_1, window_bounds = array<i64: 64, 4096>}, {transform_indices = @transform_2, window_bounds = array<i64: 5, 64, 4096>}, {transform_indices = @transform_3, window_bounds = array<i64: 1, 1>}]} {
    %get3A = arith.constant 0 : index
    %get3A_0 = arith.constant 0 : index
    %get3A_1 = vector.load %arg1[%get3A, %get3A_0] : memref<64x4096xf32, #tpu.memory_space<vmem>>, vector<64x4096xf32>
    %get3A_2 = arith.constant 0 : index
    %get3A_3 = arith.constant 0 : index
    %get3A_4 = vector.load %arg2[%get3A_2, %get3A_3] : memref<64x4096xf32, #tpu.memory_space<vmem>>, vector<64x4096xf32>
    %mul3A = arith.mulf %get3A_4, %get3A_1 : vector<64x4096xf32>
    %reduce_sum3A = arith.constant dense<0.000000e+00> : vector<4096xf32>
    %reduce_sum3A_5 = vector.multi_reduction <add>, %mul3A, %reduce_sum3A [0] : vector<64x4096xf32> to vector<4096xf32>
    %min3A = arith.constant 0.000000e+00 : f32
    %min3A_6 = vector.broadcast %min3A : f32 to vector<4096xf32>
    %min3A_7 = arith.minimumf %reduce_sum3A_5, %min3A_6 : vector<4096xf32>
    %abs3A = math.absf %reduce_sum3A_5 : vector<4096xf32>
    %neg3A = arith.constant 0.000000e+00 : f32
    %neg3A_8 = vector.broadcast %neg3A : f32 to vector<4096xf32>
    %neg3A_9 = arith.subf %neg3A_8, %abs3A : vector<4096xf32>
    %exp3A = math.exp %neg3A_9 : vector<4096xf32>
    %log1p3A = math.log1p %exp3A : vector<4096xf32>
    %sub3A = arith.subf %min3A_7, %log1p3A : vector<4096xf32>
    %get3A_10 = arith.constant 0 : index
    %get3A_11 = arith.constant 0 : index
    %get3A_12 = arith.constant 0 : index
    %get3A_13 = vector.load %arg3[%get3A_10, %get3A_11, %get3A_12] : memref<5x64x4096xf32, #tpu.memory_space<vmem>>, vector<1x64x4096xf32>
    %get3A_14 = vector.shape_cast %get3A_13 : vector<1x64x4096xf32> to vector<64x4096xf32>
    %mul3A_15 = arith.mulf %get3A_14, %get3A_1 : vector<64x4096xf32>
    %reduce_sum3A_16 = arith.constant dense<0.000000e+00> : vector<4096xf32>
    %reduce_sum3A_17 = vector.multi_reduction <add>, %mul3A_15, %reduce_sum3A_16 [0] : vector<64x4096xf32> to vector<4096xf32>
    %neg3A_18 = arith.constant 0.000000e+00 : f32
    %neg3A_19 = vector.broadcast %neg3A_18 : f32 to vector<4096xf32>
    %neg3A_20 = arith.subf %neg3A_19, %reduce_sum3A_17 : vector<4096xf32>
    %min3A_21 = arith.constant 0.000000e+00 : f32
    %min3A_22 = vector.broadcast %min3A_21 : f32 to vector<4096xf32>
    %min3A_23 = arith.minimumf %neg3A_20, %min3A_22 : vector<4096xf32>
    %abs3A_24 = math.absf %neg3A_20 : vector<4096xf32>
    %neg3A_25 = arith.constant 0.000000e+00 : f32
    %neg3A_26 = vector.broadcast %neg3A_25 : f32 to vector<4096xf32>
    %neg3A_27 = arith.subf %neg3A_26, %abs3A_24 : vector<4096xf32>
    %exp3A_28 = math.exp %neg3A_27 : vector<4096xf32>
    %log1p3A_29 = math.log1p %exp3A_28 : vector<4096xf32>
    %sub3A_30 = arith.subf %min3A_23, %log1p3A_29 : vector<4096xf32>
    %add3A = arith.addf %sub3A, %sub3A_30 : vector<4096xf32>
    %get3A_31 = arith.constant 1 : index
    %get3A_32 = arith.constant 0 : index
    %get3A_33 = arith.constant 0 : index
    %get3A_34 = vector.load %arg3[%get3A_31, %get3A_32, %get3A_33] : memref<5x64x4096xf32, #tpu.memory_space<vmem>>, vector<1x64x4096xf32>
    %get3A_35 = vector.shape_cast %get3A_34 : vector<1x64x4096xf32> to vector<64x4096xf32>
    %mul3A_36 = arith.mulf %get3A_35, %get3A_1 : vector<64x4096xf32>
    %reduce_sum3A_37 = arith.constant dense<0.000000e+00> : vector<4096xf32>
    %reduce_sum3A_38 = vector.multi_reduction <add>, %mul3A_36, %reduce_sum3A_37 [0] : vector<64x4096xf32> to vector<4096xf32>
    %neg3A_39 = arith.constant 0.000000e+00 : f32
    %neg3A_40 = vector.broadcast %neg3A_39 : f32 to vector<4096xf32>
    %neg3A_41 = arith.subf %neg3A_40, %reduce_sum3A_38 : vector<4096xf32>
    %min3A_42 = arith.constant 0.000000e+00 : f32
    %min3A_43 = vector.broadcast %min3A_42 : f32 to vector<4096xf32>
    %min3A_44 = arith.minimumf %neg3A_41, %min3A_43 : vector<4096xf32>
    %abs3A_45 = math.absf %neg3A_41 : vector<4096xf32>
    %neg3A_46 = arith.constant 0.000000e+00 : f32
    %neg3A_47 = vector.broadcast %neg3A_46 : f32 to vector<4096xf32>
    %neg3A_48 = arith.subf %neg3A_47, %abs3A_45 : vector<4096xf32>
    %exp3A_49 = math.exp %neg3A_48 : vector<4096xf32>
    %log1p3A_50 = math.log1p %exp3A_49 : vector<4096xf32>
    %sub3A_51 = arith.subf %min3A_44, %log1p3A_50 : vector<4096xf32>
    %add3A_52 = arith.addf %add3A, %sub3A_51 : vector<4096xf32>
    %get3A_53 = arith.constant 2 : index
    %get3A_54 = arith.constant 0 : index
    %get3A_55 = arith.constant 0 : index
    %get3A_56 = vector.load %arg3[%get3A_53, %get3A_54, %get3A_55] : memref<5x64x4096xf32, #tpu.memory_space<vmem>>, vector<1x64x4096xf32>
    %get3A_57 = vector.shape_cast %get3A_56 : vector<1x64x4096xf32> to vector<64x4096xf32>
    %mul3A_58 = arith.mulf %get3A_57, %get3A_1 : vector<64x4096xf32>
    %reduce_sum3A_59 = arith.constant dense<0.000000e+00> : vector<4096xf32>
    %reduce_sum3A_60 = vector.multi_reduction <add>, %mul3A_58, %reduce_sum3A_59 [0] : vector<64x4096xf32> to vector<4096xf32>
    %neg3A_61 = arith.constant 0.000000e+00 : f32
    %neg3A_62 = vector.broadcast %neg3A_61 : f32 to vector<4096xf32>
    %neg3A_63 = arith.subf %neg3A_62, %reduce_sum3A_60 : vector<4096xf32>
    %min3A_64 = arith.constant 0.000000e+00 : f32
    %min3A_65 = vector.broadcast %min3A_64 : f32 to vector<4096xf32>
    %min3A_66 = arith.minimumf %neg3A_63, %min3A_65 : vector<4096xf32>
    %abs3A_67 = math.absf %neg3A_63 : vector<4096xf32>
    %neg3A_68 = arith.constant 0.000000e+00 : f32
    %neg3A_69 = vector.broadcast %neg3A_68 : f32 to vector<4096xf32>
    %neg3A_70 = arith.subf %neg3A_69, %abs3A_67 : vector<4096xf32>
    %exp3A_71 = math.exp %neg3A_70 : vector<4096xf32>
    %log1p3A_72 = math.log1p %exp3A_71 : vector<4096xf32>
    %sub3A_73 = arith.subf %min3A_66, %log1p3A_72 : vector<4096xf32>
    %add3A_74 = arith.addf %add3A_52, %sub3A_73 : vector<4096xf32>
    %get3A_75 = arith.constant 3 : index
    %get3A_76 = arith.constant 0 : index
    %get3A_77 = arith.constant 0 : index
    %get3A_78 = vector.load %arg3[%get3A_75, %get3A_76, %get3A_77] : memref<5x64x4096xf32, #tpu.memory_space<vmem>>, vector<1x64x4096xf32>
    %get3A_79 = vector.shape_cast %get3A_78 : vector<1x64x4096xf32> to vector<64x4096xf32>
    %mul3A_80 = arith.mulf %get3A_79, %get3A_1 : vector<64x4096xf32>
    %reduce_sum3A_81 = arith.constant dense<0.000000e+00> : vector<4096xf32>
    %reduce_sum3A_82 = vector.multi_reduction <add>, %mul3A_80, %reduce_sum3A_81 [0] : vector<64x4096xf32> to vector<4096xf32>
    %neg3A_83 = arith.constant 0.000000e+00 : f32
    %neg3A_84 = vector.broadcast %neg3A_83 : f32 to vector<4096xf32>
    %neg3A_85 = arith.subf %neg3A_84, %reduce_sum3A_82 : vector<4096xf32>
    %min3A_86 = arith.constant 0.000000e+00 : f32
    %min3A_87 = vector.broadcast %min3A_86 : f32 to vector<4096xf32>
    %min3A_88 = arith.minimumf %neg3A_85, %min3A_87 : vector<4096xf32>
    %abs3A_89 = math.absf %neg3A_85 : vector<4096xf32>
    %neg3A_90 = arith.constant 0.000000e+00 : f32
    %neg3A_91 = vector.broadcast %neg3A_90 : f32 to vector<4096xf32>
    %neg3A_92 = arith.subf %neg3A_91, %abs3A_89 : vector<4096xf32>
    %exp3A_93 = math.exp %neg3A_92 : vector<4096xf32>
    %log1p3A_94 = math.log1p %exp3A_93 : vector<4096xf32>
    %sub3A_95 = arith.subf %min3A_88, %log1p3A_94 : vector<4096xf32>
    %add3A_96 = arith.addf %add3A_74, %sub3A_95 : vector<4096xf32>
    %get3A_97 = arith.constant 4 : index
    %get3A_98 = arith.constant 0 : index
    %get3A_99 = arith.constant 0 : index
    %get3A_100 = vector.load %arg3[%get3A_97, %get3A_98, %get3A_99] : memref<5x64x4096xf32, #tpu.memory_space<vmem>>, vector<1x64x4096xf32>
    %get3A_101 = vector.shape_cast %get3A_100 : vector<1x64x4096xf32> to vector<64x4096xf32>
    %mul3A_102 = arith.mulf %get3A_101, %get3A_1 : vector<64x4096xf32>
    %reduce_sum3A_103 = arith.constant dense<0.000000e+00> : vector<4096xf32>
    %reduce_sum3A_104 = vector.multi_reduction <add>, %mul3A_102, %reduce_sum3A_103 [0] : vector<64x4096xf32> to vector<4096xf32>
    %neg3A_105 = arith.constant 0.000000e+00 : f32
    %neg3A_106 = vector.broadcast %neg3A_105 : f32 to vector<4096xf32>
    %neg3A_107 = arith.subf %neg3A_106, %reduce_sum3A_104 : vector<4096xf32>
    %min3A_108 = arith.constant 0.000000e+00 : f32
    %min3A_109 = vector.broadcast %min3A_108 : f32 to vector<4096xf32>
    %min3A_110 = arith.minimumf %neg3A_107, %min3A_109 : vector<4096xf32>
    %abs3A_111 = math.absf %neg3A_107 : vector<4096xf32>
    %neg3A_112 = arith.constant 0.000000e+00 : f32
    %neg3A_113 = vector.broadcast %neg3A_112 : f32 to vector<4096xf32>
    %neg3A_114 = arith.subf %neg3A_113, %abs3A_111 : vector<4096xf32>
    %exp3A_115 = math.exp %neg3A_114 : vector<4096xf32>
    %log1p3A_116 = math.log1p %exp3A_115 : vector<4096xf32>
    %sub3A_117 = arith.subf %min3A_110, %log1p3A_116 : vector<4096xf32>
    %add3A_118 = arith.addf %add3A_96, %sub3A_117 : vector<4096xf32>
    %reduce_sum3A_119 = vector.shape_cast %add3A_118 : vector<4096xf32> to vector<1x4096xf32>
    %reduce_sum3A_120 = arith.constant dense<0.000000e+00> : vector<1xf32>
    %reduce_sum3A_121 = vector.multi_reduction <add>, %reduce_sum3A_119, %reduce_sum3A_120 [1] : vector<1x4096xf32> to vector<1xf32>
    %reduce_sum3A_122 = vector.shape_cast %reduce_sum3A_121 : vector<1xf32> to vector<1x1xf32>
    %reduce_sum3A_123 = vector.extract %reduce_sum3A_122[0, 0] : f32 from vector<1x1xf32>
    %eq3A = arith.constant 0 : i32
    %eq3A_124 = arith.cmpi eq, %arg0, %eq3A : i32
    %convert_element_type3A = arith.extui %eq3A_124 : i1 to i32
    %cond3A = arith.constant 0 : i32
    %cond3A_125 = arith.cmpi ne, %convert_element_type3A, %cond3A : i32
    scf.if %cond3A_125 {
      %swap3A_132 = arith.constant 0.000000e+00 : f32
      %swap3A_133 = arith.constant 0 : index
      %swap3A_134 = arith.constant 0 : index
      %swap3A_135 = memref.load %arg4[%swap3A_133, %swap3A_134] : memref<1x1xf32, #tpu.memory_space<smem>>
      memref.store %swap3A_132, %arg4[%swap3A_133, %swap3A_134] : memref<1x1xf32, #tpu.memory_space<smem>>
    } else {
    }
    %get3A_126 = arith.constant 0 : index
    %get3A_127 = arith.constant 0 : index
    %get3A_128 = memref.load %arg4[%get3A_126, %get3A_127] : memref<1x1xf32, #tpu.memory_space<smem>>
    %add3A_129 = arith.addf %get3A_128, %reduce_sum3A_123 : f32
    %swap3A = arith.constant 0 : index
    %swap3A_130 = arith.constant 0 : index
    %swap3A_131 = memref.load %arg4[%swap3A, %swap3A_130] : memref<1x1xf32, #tpu.memory_space<smem>>
    memref.store %add3A_129, %arg4[%swap3A, %swap3A_130] : memref<1x1xf32, #tpu.memory_space<smem>>
    return
  }
  func.func @transform_0(%arg0: i32) -> (i32, i32) {
    %c0_i32 = arith.constant 0 : i32
    %c0_i32_0 = arith.constant 0 : i32
    return %c0_i32, %arg0 : i32, i32
  }
  func.func @transform_1(%arg0: i32) -> (i32, i32) {
    %c0_i32 = arith.constant 0 : i32
    %c0_i32_0 = arith.constant 0 : i32
    return %c0_i32, %arg0 : i32, i32
  }
  func.func @transform_2(%arg0: i32) -> (i32, i32, i32) {
    %c0_i32 = arith.constant 0 : i32
    %c0_i32_0 = arith.constant 0 : i32
    %c0_i32_1 = arith.constant 0 : i32
    return %c0_i32, %c0_i32_0, %arg0 : i32, i32, i32
  }
  func.func @transform_3(%arg0: i32) -> (i32, i32) {
    %c0_i32 = arith.constant 0 : i32
    %c0_i32_0 = arith.constant 0 : i32
    %c0_i32_1 = arith.constant 0 : i32
    return %c0_i32, %c0_i32_0 : i32, i32
  }
}

</mosaic_0001>

<sc_bundles>
// kernel: kernel.5.cloned.1.call-start
scs
__scs_entry_jumppad:
0x0: {  	(pc) =	sbr.rel $0x88, $3  }
0x1: {  	(tag) =	ssettag $0x0;
	lr =	simm.s32 $0x1  }
0x2: {  	[smem:$0x3F9E] =	sst lr;
	_ =	strace $0xD0000000  }
0x3: {  	_ = 	snop  }
0x4: {  	_ = 	snop  }
0x5: {  	_ = 	snop  }
0x6: {  	_ = 	snop  }
0x7: {  	_ = 	snop  }
__scs_overlays_trampoline_lowered:
0x8: {  	[smem:$0x3FAD] =	sst s0  }
0x9: {  	[smem:$0x3FAE] =	sst s1  }
0xa: {  	[smem:$0x3FAF] =	sst s2  }
0xb: {  	[smem:$0x3FB0] =	sst s3  }
0xc: {  	[smem:$0x3FB1] =	sst s4  }
0xd: {  	[smem:$0x3FB2] =	sst s5  }
0xe: {  	[smem:$0x3FB3] =	sst s6  }
0xf: {  	[smem:$0x3FB4] =	sst s7  }
0x10: {  	[smem:$0x3FB5] =	sst s8  }
0x11: {  	[smem:$0x3FB6] =	sst s9;
	s0 =	simm.s32 @!p0 $0x0  }
0x12: {  	s1 =	sld [smem:$0x3F9C];
	s0 =	simm.s32 @p0 $0x1  }
0x13: {  	[smem:$0x3FB7] =	sst s0;
	s0 =	simm.s32 @!p1 $0x0  }
0x14: {  	s2 =	sld [smem:$0x3F9B];
	s0 =	simm.s32 @p1 $0x1  }
0x15: {  	[smem:$0x3FB8] =	sst s0;
	s0 =	simm.s32 @!p2 $0x0  }
0x16: {  	s3 =	sld [smem:$0x3FDB];
	s0 =	simm.s32 @p2 $0x1  }
0x17: {  	s4 =	simm.s32 $0x1BF5;
	[smem:$0x3FBA] =	sst s0  }
0x18: {  	s0 =	sld [smem:$0x3F9D];
	_ =	swait.ge [sflag:s4], $0x0  }
0x19: {  	s7 =	sld [smem:$0x3F9E]  }
0x1a: {  	s8 =	sadd.s32 $0xFFFFE003, lr  }
0x1b: {  	s9 =	sadd.s32 $0xFFFFFEF7, lr;
	s5 =	simm.s32 $0xFFFFFFFF;
	p2 =	slt.u32 s8, $0xFFFFF086  }
0x1c: {  	p1 =	slt.u32 s9, $0xF7A;
	s5 =	simm.s32 @!p2 $0x0  }
0x1d: {  	s5 =	simm.s32 @p1 $0x1;
	p0 =	seq.s32 s7, s2  }
0x1e: {  	s7 =	smul.u32 @!p0 $0xF7A, s2;
	p2 =	seq.s32 @!p0 s5, $0x0  }
0x1f: {  	s9 =	smul.u32 $0xF7A, s1;
	s8 =	simm.s32 @!p0 $0x1BF5;
	p2 =	por !p2, p0  }
0x20: {  	[sflag:s8] =	ssyncset.s32 @!p0 $0xFFFFF086;
	s6 =	sadd.s32 @!p0 s3, s7;
	s7 =	simm.s32 @!p0 $0x108  }
0x21: {  	s3 =	sadd.s32 s3, s9;
	s6 =	sadd.s32 @!p0 $0x88, s6;
	s7 =	simm.s32 @p2 $0x1082  }
0x22: {  	[simem:s7], [sflag:s8] =	dma.local @!p0 [hbm:s6], $0xF7A  }
0x23: {  	s9 =	sor.u32 $0xD0000000, s2;
	s6 =	simm.s32 $0x108;
	_ =	swait.ge @!p0 [sflag:s8], $0x0  }
0x24: {  	s3 =	sadd.s32 $0x88, s3;
	s6 =	simm.s32 @!p1 $0x1082;
	[sflag:s4] =	ssyncset.s32 $0xFFFFF086  }
0x25: {  	[simem:s6], [sflag:s4] =	dma.local [hbm:s3], $0xF7A  }
0x26: {  	[smem:$0x3F9E] =	sst s1;
	(tag) =	ssettag s2;
	_ =	strace s9  }
0x27: {  	s1 =	sld [smem:$0x3FAE]  }
0x28: {  	s2 =	sld [smem:$0x3FAF]  }
0x29: {  	s4 =	sld [smem:$0x3FB1]  }
0x2a: {  	p0 =	seq.s32 s5, $0x0;
	s5 =	sld [smem:$0x3FB2]  }
0x2b: {  	s6 =	sld [smem:$0x3FB3]  }
0x2c: {  	s7 =	sld [smem:$0x3FB4]  }
0x2d: {  	s3 =	simm.s32 $0x108;
	s8 =	sld [smem:$0x3FB5]  }
0x2e: {  	s3 =	simm.s32 @!p0 $0x1082;
	s9 =	sld [smem:$0x3FB6]  }
0x2f: {  	lr =	sadd.s32 s0, s3;
	s0 =	sld [smem:$0x3FAD]  }
0x30: {  	s3 =	sld [smem:$0x3FB0]  }
0x31: {  	[smem:$0x3FB9] =	sst s10  }
0x32: {  	s10 =	sld [smem:$0x3FB7];
	_ =	sdelay $0x3  }
0x33: {  	p0 =	seq.s32 s10, $0x1;
	s10 =	sld [smem:$0x3FB9];
	_ =	sdelay $0x3  }
0x34: {  	[smem:$0x3FB9] =	sst s10  }
0x35: {  	s10 =	sld [smem:$0x3FB8];
	_ =	sdelay $0x3  }
0x36: {  	p1 =	seq.s32 s10, $0x1;
	s10 =	sld [smem:$0x3FB9];
	_ =	sdelay $0x3  }
0x37: {  	[smem:$0x3FB9] =	sst s10  }
0x38: {  	s10 =	sld [smem:$0x3FBA]  }
0x39: {  	_ = 	snop;
	(pc) =	sbr.ind lr, $3  }
0x3a: {  	_ = 	snop  }
0x3b: {  	_ = 	snop  }
0x3c: {  	p2 =	seq.s32 s10, $0x1;
	s10 =	sld [smem:$0x3FB9]  }
0x3d: {  	_ =	shalt  }
0x3e: {  	_ =	shalt  }
0x3f: {  	_ =	shalt  }
0x40: {  	_ =	shalt  }
0x41: {  	_ =	shalt  }
0x42: {  	_ =	shalt  }
0x43: {  	_ =	shalt  }
0x44: {  	_ =	shalt  }
0x45: {  	_ =	shalt  }
0x46: {  	_ =	shalt  }
0x47: {  	_ =	shalt  }
0x48: {  	_ =	shalt  }
0x49: {  	_ =	shalt  }
0x4a: {  	_ =	shalt  }
0x4b: {  	_ =	shalt  }
0x4c: {  	_ =	shalt  }
0x4d: {  	_ =	shalt  }
0x4e: {  	_ =	shalt  }
0x4f: {  	_ =	shalt  }
0x50: {  	_ =	shalt  }
0x51: {  	_ =	shalt  }
0x52: {  	_ =	shalt  }
0x53: {  	_ =	shalt  }
0x54: {  	_ =	shalt  }
0x55: {  	_ =	shalt  }
0x56: {  	_ =	shalt  }
0x57: {  	_ =	shalt  }
0x58: {  	_ =	shalt  }
0x59: {  	_ =	shalt  }
0x5a: {  	_ =	shalt  }
0x5b: {  	_ =	shalt  }
0x5c: {  	_ =	shalt  }
0x5d: {  	_ =	shalt  }
0x5e: {  	_ =	shalt  }
0x5f: {  	_ =	shalt  }
0x60: {  	_ =	shalt  }
0x61: {  	_ =	shalt  }
0x62: {  	_ =	shalt  }
0x63: {  	_ =	shalt  }
0x64: {  	_ =	shalt  }
0x65: {  	_ =	shalt  }
0x66: {  	_ =	shalt  }
0x67: {  	_ =	shalt  }
0x68: {  	_ =	shalt  }
0x69: {  	_ =	shalt  }
0x6a: {  	_ =	shalt  }
0x6b: {  	_ =	shalt  }
0x6c: {  	_ =	shalt  }
0x6d: {  	_ =	shalt  }
0x6e: {  	_ =	shalt  }
0x6f: {  	_ =	shalt  }
0x70: {  	_ =	shalt  }
0x71: {  	_ =	shalt  }
0x72: {  	_ =	shalt  }
0x73: {  	_ =	shalt  }
0x74: {  	_ =	shalt  }
0x75: {  	_ =	shalt  }
0x76: {  	_ =	shalt  }
0x77: {  	_ =	shalt  }
0x78: {  	_ =	shalt  }
0x79: {  	_ =	shalt  }
0x7a: {  	_ =	shalt  }
0x7b: {  	_ =	shalt  }
0x7c: {  	_ =	shalt  }
0x7d: {  	_ =	shalt  }
0x7e: {  	_ =	shalt  }
0x7f: {  	_ =	shalt  }
0x80: {  	_ =	shalt  }
0x81: {  	_ =	shalt  }
0x82: {  	_ =	shalt  }
0x83: {  	_ =	shalt  }
0x84: {  	_ =	shalt  }
0x85: {  	_ =	shalt  }
0x86: {  	_ =	shalt  }
0x87: {  	_ =	shalt  }
.Lfunc_end0:
.L_simem_size_0:
called_computation_lowered:
.L_overlay_start_0:
0x88: {  	s2 =	sld [smem:$0x3FD9]  }
0x89: {  	s3 =	sld [smem:$0x3FFE];
	_ =	sdelay $0x1  }
0x8a: {  	s1 =	srdreg.scid  }
0x8b: {  	s0 =	sand.u32 $0x1, s1  }
0x8c: {  	s17 =	sshll.u32 s0, $0xA;
	s2 =	sadd.s32 s3, s2  }
0x8d: {  	s2 =	sadd.s32 s2, s17  }
0x8e: {  	[smem:$0x3FC5] =	sst s2  }
0x8f: {  	_ = 	snop  }
0x90: {  	s2 =	sld [smem:$0x3FC9]  }
0x91: {  	s18 =	sld [smem:$0x3FC8]  }
0x92: {  	s4 =	sld [smem:$0x3FC7];
	(tm) =	ssettm $0x1  }
0x93: {  	s5 =	sld [smem:$0x3FFB];
	_ =	sdelay $0x3  }
0x94: {  	_ =	strace s5  }
0x95: {  	s5 =	sld [smem:$0x3FFC];
	_ =	sdelay $0x3  }
0x96: {  	_ =	strace s5  }
0x97: {  	s5 =	sld [smem:$0x3FFD];
	_ =	sdelay $0x3  }
0x98: {  	_ =	strace s5  }
0x99: {  	_ =	strace $0x8FFFFFFF  }
0x9a: {  	s19 =	sld [smem:$0x3FDB];
	_ =	sdelay $0x1  }
0x9b: {  	s6 =	simm.s32 $_scs_section_size  }
0x9c: {  	s7 =	simm.s32 $_size__tile_overlayer_lowered;
	s8 =	simm.s32 $_tile_overlayer_lowered  }
0x9d: {  	s22 =	simm.s32 $0x1BFF;
	s21 =	sshll.u32 s8, $0x1;
	s5 =	sadd.s32 s6, s19  }
0x9e: {  	s9 =	simm.s32 $0x0;
	s20 =	sshll.u32 s7, $0x1;
	s7 =	sadd.s32 s21, s5  }
0x9f: {  	[timem:s9], [sflag:s22] =	dma.local [hbm:s7], s20  }
0xa0: {  	_ =	swait.ge [sflag:s22], s20  }
0xa1: {  	s6 =	ssub.s32 $0x0, s20;
	[sflag:s22] =	ssyncset.done $0x0  }
0xa2: {  	[sflag:s22] =	ssyncadd.s32 s6;
	_ =	sdelay $0x1  }
0xa3: {  	s23 =	simm.s32 $0x1B8B  }
0xa4: {  	_ =	swait.ge [sflag:s23], $0x1  }
0xa5: {  	[sflag:s23] =	ssyncset.done $0x0  }
0xa6: {  	s25 =	simm.s32 $0x1B8E;
	s24 =	sld [smem:$0x3FFE];
	[sflag:s23] =	ssyncadd.s32 $0xFFFFFFFF  }
0xa7: {  	s26 =	simm.s32 $execute0_lowered;
	[smem:$0x3FD2] =	sst s25  }
0xa8: {  	s7 =	sshll.u32 s26, $0x1;
	_ =	strace $0x80000046;
	[dreg:$0x1] =	wrdreg $0xFFFFFFFF  }
0xa9: {  	s28 =	simm.s32 $_size_execute0_lowered;
	s5 =	sadd.s32 s5, s7;
	[dreg:$0x0] =	wrdreg $0x0  }
0xaa: {  	s7 =	sshll.u32 s28, $0x1;
	[dreg:$0x2] =	wrdreg s5  }
0xab: {  	[dreg:$0x3] =	wrdreg s7  }
0xac: {  	[dreg:$0x4] =	wrdreg $0xC0  }
0xad: {  	_ =	task [dreg:s9], $0x5FFFF  }
0xae: {  	[dreg:$0x1] =	wrdreg $0xFFFFFFFF  }
0xaf: {  	[dreg:$0x0] =	wrdreg $0x60  }
0xb0: {  	[dreg:$0x2] =	wrdreg s2  }
0xb1: {  	[dreg:$0x3] =	wrdreg s18  }
0xb2: {  	[dreg:$0x4] =	wrdreg s4  }
0xb3: {  	[dreg:$0x5] =	wrdreg s24  }
0xb4: {  	[dreg:$0x6] =	wrdreg $0x9  }
0xb5: {  	_ =	task.clear_ibuf [dreg:s9], $0x7FFFF;
	_ =	strace $0x90000046  }
0xb6: {  	s29 =	simm.s32 $0x9;
	_ =	strace $0x80000048  }
0xb7: {  	_ =	swait.ge [sflag:s29], $0x1  }
0xb8: {  	[sflag:s29] =	ssyncadd.s32 $0xFFFFFFFF  }
0xb9: {  	_ =	strace $0x90000048  }
0xba: {  	_ =	sfence  }
0xbb: {  	s30 =	sld [smem:$0x0];
	_ =	sdelay $0x2  }
0xbc: {  	s31 =	sshll.u32 s1, $0xD;
	s1 =	sshrl.u32 s1, $0x2  }
0xbd: {  	s3 =	sand.u32 $0x4000, s31;
	s1 =	sadd.s32 s1, s30  }
0xbe: {  	s0 =	sor.u32 s3, s0;
	s1 =	sshll.u32 s1, $0x11  }
0xbf: {  	s0 =	sor.u32 s1, s0  }
0xc0: {  	s0 =	sadd.s32 $0x8F2B, s0  }
0xc1: {  	[sflag:s0] =	ssyncadd.remote.s32 $0x1  }
0xc2: {  	_ =	sfence.sel $0xFFFF  }
0xc3: {  	[dreg:$0x0] =	wrdreg $0xFFFFFFFF;
	(pc) =	sbr.abs _section_cstart, $3  }
0xc4: {  	[dreg:$0x1] =	wrdreg $0xFFFFFFFF  }
0xc5: {  	_ =	task.clear_ibuf [dreg:s9], $0x2FFFF;
	_ =	strace $0x9FFFFFFF  }
0xc6: {  	(tm) =	ssettm $0x7FFFFFFF  }
0xc7: {  	_ =	shalt  }
tec
execute0_lowered:
.L_overlay_start_1:
0x0: {  	(tag) =	ssettag $0x1  }
0x1: {  	s3 =	rddreg [dreg:$0x0]  }
0x2: {  	s4 =	rddreg [dreg:$0x1]  }
0x3: {  	s5 =	rddreg [dreg:$0x2]  }
0x4: {  	s6 =	rddreg [dreg:$0x3];
	s2 =	srdreg.scid  }
0x5: {  	s0 =	rddreg [dreg:$0x4];
	s1 =	stileid.u32;
	s11 =	simm.s32 $0x2000  }
0x6: {  	s12 =	simm.s32 $0x4000;
	s13 =	simm.s32 $0x8000;
	s14 =	simm.s32 $0xE000  }
0x7: {  	s15 =	simm.s32 $0x0;
	s7 =	sand.u32 $0x1, s2;
	s2 =	simm.s32 $0x0  }
0x8: {  	s8 =	sshll.u32 s1, $0x8;
	s9 =	sshll.u32 s7, $0x7;
	[smem:$0x7FF] =	sst s2  }
0x9: {  	s7 =	ssub.s32 $0x2, s7;
	s8 =	sor.u32 s9, s8;
	_ =	strace $0x80000047  }
0xa: {  	s31 =	sshrl.u32 s7, $0x1;
	s9 =	simm.s32 $0x20000;
	s10 =	sor.u32 $0x3000, s8  }
0xb: {  	s6 =	sadd.s32 s8, s6;
	s7 =	ssub.s32 s7, s31;
	s8 =	simm.s32 $0x400  }
0xc: {  	s3 =	sadd.s32 s3, s10;
	s4 =	sadd.s32 s4, s10;
	s5 =	sadd.s32 s5, s10  }
0xd: {  	s6 =	sadd.s32 $0xA00, s6;
	s7 =	smax.u32 s7, $0x1;
	s10 =	simm.s32 $0x1  }
.LBB2_1:
0xe: {  	[tilespmem:s2], [sflag:$0x1] =	stream.strided.gather [hbm4b:s3+s8], $0x2000, s9, s8, $0x38;
	[tilespmem:$0xE400] =	vst v63  }
0xf: {  	_ =	swait.ge [sflag:s10], $0x2000  }
0x10: {  	[sflag:s10] =	ssyncset.done $0x0  }
0x11: {  	[sflag:s10] =	ssyncadd.s32 $0xFFFFE000  }
0x12: {  	[tilespmem:s11], [sflag:$0x1] =	stream.strided.gather [hbm4b:s4+s8], $0x2000, s9, s8, $0x38;
	[tilespmem:$0xE400] =	vst v63  }
0x13: {  	_ =	swait.ge [sflag:s10], $0x2000  }
0x14: {  	[sflag:s10] =	ssyncset.done $0x0  }
0x15: {  	[sflag:s10] =	ssyncadd.s32 $0xFFFFE000  }
0x16: {  	[tilespmem:s12], [sflag:$0x1] =	stream.strided.gather [hbm4b:s5+s8], $0xA000, s9, s8, $0x38;
	[tilespmem:$0xE400] =	vst v63  }
0x17: {  	_ =	swait.ge [sflag:s10], $0xA000  }
0x18: {  	[sflag:s10] =	ssyncset.done $0x0  }
0x19: {  	s16 =	simm.s32 $0x0;
	s17 =	simm.s32 $0x0;
	[sflag:s10] =	ssyncadd.s32 $0xFFFF6000  }
.LBB2_2:
0x1a: {  	s18 =	sshra.s32 s16, $0x2  }
0x1b: {  	v0 =	vld [tilespmem:s18+$0x380]  }
0x1c: {  	v3 =	vld [tilespmem:s18+$0x2380]  }
0x1d: {  	v4 =	vld [tilespmem:s18+$0x4380]  }
0x1e: {  	v5 =	vld [tilespmem:s18+$0x6380]  }
0x1f: {  	v6 =	vld [tilespmem:s18+$0x8380]  }
0x20: {  	v1 =	vld [tilespmem:s18+$0x300]  }
0x21: {  	v7 =	vld [tilespmem:s18+$0x2300]  }
0x22: {  	v8 =	vld [tilespmem:s18+$0x4300]  }
0x23: {  	v9 =	vld [tilespmem:s18+$0x6300]  }
0x24: {  	v10 =	vld [tilespmem:s18+$0x8300]  }
0x25: {  	v2 =	vld [tilespmem:s18+$0x280]  }
0x26: {  	v11 =	vld [tilespmem:s18+$0x2280]  }
0x27: {  	v12 =	vld [tilespmem:s18+$0x4280]  }
0x28: {  	v13 =	vld [tilespmem:s18+$0x6280]  }
0x29: {  	v14 =	vld [tilespmem:s18+$0x8280]  }
0x2a: {  	v23 =	vld [tilespmem:s18+$0x200]  }
0x2b: {  	v15 =	vld [tilespmem:s18+$0x2200]  }
0x2c: {  	v16 =	vld [tilespmem:s18+$0x4200]  }
0x2d: {  	v17 =	vld [tilespmem:s18+$0x6200]  }
0x2e: {  	v19 =	vld [tilespmem:s18+$0x180]  }
0x2f: {  	v20 =	vld [tilespmem:s18+$0x100]  }
0x30: {  	v21 =	vld [tilespmem:s18+$0x80]  }
0x31: {  	v22 =	vld [tilespmem:s18+$0x0]  }
0x32: {  	v24 =	vld [tilespmem:s18+$0x2000]  }
0x33: {  	v25 =	vld [tilespmem:s18+$0x4000]  }
0x34: {  	v26 =	vld [tilespmem:s18+$0x2080]  }
0x35: {  	v29 =	vld [tilespmem:s18+$0x4080];
	v27 =	vmul.f32 v3, v0  }
0x36: {  	v30 =	vld [tilespmem:s18+$0x2100];
	v28 =	vmul.f32 v4, v0;
	v4 =	vmul.f32 v5, v0  }
0x37: {  	v31 =	vld [tilespmem:s18+$0x4100];
	v3 =	vmul.f32 v6, v0;
	v7 =	vmul.f32 v7, v1  }
0x38: {  	v43 =	vld [tilespmem:s18+$0x2180];
	v6 =	vmul.f32 v9, v1;
	v5 =	vmul.f32 v10, v1  }
0x39: {  	v32 =	vld [tilespmem:s18+$0x4180];
	v9 =	vmul.f32 v24, v22;
	v10 =	vmul.f32 v25, v22  }
0x3a: {  	v44 =	vimm.f32 $0.0e+00;
	v18 =	vld [tilespmem:s18+$0x8200];
	v8 =	vmul.f32 v8, v1;
	v26 =	vmul.f32 v26, v21  }
0x3b: {  	v33 =	vld [tilespmem:s18+$0x6180];
	v29 =	vmul.f32 v29, v21;
	v9 =	vadd.f32 v9, v44;
	v10 =	vsub.f32 v44, v10  }
0x3c: {  	v34 =	vld [tilespmem:s18+$0x8180];
	v30 =	vmul.f32 v30, v20;
	v35 =	vmul.f32 v12, v2  }
0x3d: {  	v46 =	vld [tilespmem:s18+$0x6100];
	v45 =	vmul.f32 v31, v20;
	v12 =	vadd.f32 v26, v9;
	v10 =	vsub.f32 v10, v29  }
0x3e: {  	v47 =	vld [tilespmem:s18+$0x8100];
	v24 =	vmul.f32 v43, v19;
	v48 =	vmul.f32 v32, v19  }
0x3f: {  	v36 =	vld [tilespmem:s18+$0x6080];
	v9 =	vmul.f32 v13, v2;
	v12 =	vadd.f32 v30, v12;
	v13 =	vsub.f32 v10, v45  }
0x40: {  	v49 =	vld [tilespmem:s18+$0x8080];
	v15 =	vmul.f32 v15, v23;
	v16 =	vmul.f32 v16, v23  }
0x41: {  	v24 =	vadd.f32 v24, v12;
	v26 =	vsub.f32 v13, v48;
	v12 =	vmul.f32 v17, v23;
	v17 =	vld [tilespmem:s18+$0xA000]  }
0x42: {  	v50 =	vld [tilespmem:s18+$0x8000];
	v11 =	vmul.f32 v11, v2;
	v52 =	vmul.f32 v46, v20  }
0x43: {  	v10 =	vmul.f32 v14, v2;
	v14 =	vld [tilespmem:s18+$0x6000];
	v15 =	vadd.f32 v15, v24;
	v16 =	vsub.f32 v26, v16  }
0x44: {  	v51 =	vld [tilespmem:s18+$0xC000];
	v53 =	vmul.f32 v34, v19;
	v31 =	vmul.f32 v47, v20  }
0x45: {  	v54 =	vld [tilespmem:s18+$0xA080];
	v30 =	vmul.f32 v49, v21;
	v11 =	vadd.f32 v11, v15;
	v15 =	vsub.f32 v16, v35  }
0x46: {  	v55 =	vld [tilespmem:s18+$0xC080];
	v13 =	vmul.f32 v18, v23;
	v17 =	vmul.f32 v17, v22  }
0x47: {  	v56 =	vld [tilespmem:s18+$0xA100];
	v18 =	vmul.f32 v33, v19;
	v7 =	vadd.f32 v7, v11;
	v11 =	vsub.f32 v15, v8  }
0x48: {  	v57 =	vld [tilespmem:s18+$0xC100];
	v14 =	vmul.f32 v14, v22;
	v15 =	vmul.f32 v50, v22;
	v17 =	vsub.f32 v44, v17  }
0x49: {  	v58 =	vld [tilespmem:s18+$0xA180];
	v22 =	vmul.f32 v51, v22;
	v8 =	vadd.f32 v27, v7;
	v7 =	vsub.f32 v11, v28  }
0x4a: {  	v59 =	vld [tilespmem:s18+$0xC180];
	v16 =	vmul.f32 v36, v21;
	v11 =	vsub.f32 v44, v14;
	v14 =	vsub.f32 v44, v15  }
0x4b: {  	v60 =	vld [tilespmem:s18+$0xA200];
	v15 =	vmul.f32 v54, v21;
	v22 =	vsub.f32 v44, v22;
	v21 =	vmul.f32 v55, v21  }
0x4c: {  	v61 =	vld [tilespmem:s18+$0xC200];
	v11 =	vsub.f32 v11, v16;
	v14 =	vsub.f32 v14, v30;
	v16 =	vmul.f32 v56, v20  }
0x4d: {  	v15 =	vsub.f32 v17, v15;
	v21 =	vsub.f32 v22, v21;
	v20 =	vmul.f32 v57, v20;
	v17 =	vld [tilespmem:s18+$0xA280]  }
0x4e: {  	v24 =	vmul.f32 v58, v19;
	v11 =	vsub.f32 v11, v52;
	v22 =	vsub.f32 v14, v31;
	v14 =	vld [tilespmem:s18+$0xC280]  }
0x4f: {  	v19 =	vmul.f32 v59, v19;
	v62 =	vsub.f32 v15, v16;
	v63 =	vsub.f32 v21, v20;
	v15 =	vld [tilespmem:s18+$0xA300]  }
0x50: {  	v16 =	vld [tilespmem:s18+$0xC300];
	v20 =	vsub.f32 v11, v18;
	v21 =	vsub.f32 v22, v53;
	v18 =	vmul.f32 v60, v23  }
0x51: {  	s19 =	sshll.u32 s17, $0x4;
	s20 =	simm.s32 $0x0;
	s21 =	sadd.s32 $0x1000, s16;
	v22 =	vsub.f32 v62, v24;
	v19 =	vsub.f32 v63, v19;
	v23 =	vmul.f32 v61, v23;
	v11 =	vld [tilespmem:s18+$0xA380]  }
.LBB2_3:
0x52: {  	v12 =	vsub.f32 v20, v12;
	v13 =	vsub.f32 v21, v13;
	v17 =	vmul.f32 v17, v2;
	v20 =	vld [tilespmem:s18+$0xC380];
	s18 =	sshra.s32 s21, $0x2  }
0x53: {  	v21 =	vld [tilespmem:s18+$0x380];
	v18 =	vsub.f32 v22, v18;
	v19 =	vsub.f32 v19, v23;
	v2 =	vmul.f32 v14, v2  }
0x54: {  	v22 =	vld [tilespmem:s18+$0x2380];
	v9 =	vsub.f32 v12, v9;
	v10 =	vsub.f32 v13, v10;
	v12 =	vmul.f32 v15, v1  }
0x55: {  	v13 =	vld [tilespmem:s18+$0x4380];
	v14 =	vsub.f32 v18, v17;
	v2 =	vsub.f32 v19, v2;
	v1 =	vmul.f32 v16, v1  }
0x56: {  	v19 =	vld [tilespmem:s18+$0x6380];
	v6 =	vsub.f32 v9, v6;
	v5 =	vsub.f32 v10, v5;
	v9 =	vmul.f32 v11, v0  }
0x57: {  	v10 =	vld [tilespmem:s18+$0x8380];
	v11 =	vsub.f32 v14, v12;
	v2 =	vsub.f32 v2, v1;
	v12 =	vmul.f32 v20, v0  }
0x58: {  	v1 =	vld [tilespmem:s18+$0x300];
	v14 =	vsub.f32 v6, v4;
	v15 =	vsub.f32 v5, v3;
	v0 =	vmov v21  }
0x59: {  	v5 =	vld [tilespmem:s18+$0x2300];
	v16 =	vsub.f32 v11, v9;
	v17 =	vsub.f32 v2, v12  }
0x5a: {  	v6 =	vld [tilespmem:s18+$0x4300]  }
0x5b: {  	v9 =	vld [tilespmem:s18+$0x6300]  }
0x5c: {  	v12 =	vld [tilespmem:s18+$0x8300]  }
0x5d: {  	v2 =	vld [tilespmem:s18+$0x280]  }
0x5e: {  	v20 =	vld [tilespmem:s18+$0x2280]  }
0x5f: {  	v21 =	vld [tilespmem:s18+$0x4280]  }
0x60: {  	v23 =	vld [tilespmem:s18+$0x6280]  }
0x61: {  	v24 =	vld [tilespmem:s18+$0x8280]  }
0x62: {  	v11 =	vld [tilespmem:s18+$0x200]  }
0x63: {  	v25 =	vld [tilespmem:s18+$0x2200]  }
0x64: {  	v26 =	vld [tilespmem:s18+$0x4200]  }
0x65: {  	v27 =	vld [tilespmem:s18+$0x6200]  }
0x66: {  	v28 =	vld [tilespmem:s18+$0x8200]  }
0x67: {  	v18 =	vld [tilespmem:s18+$0x180]  }
0x68: {  	v29 =	vld [tilespmem:s18+$0x100]  }
0x69: {  	v30 =	vld [tilespmem:s18+$0x80]  }
0x6a: {  	v31 =	vld [tilespmem:s18+$0x0]  }
0x6b: {  	v32 =	vld [tilespmem:s18+$0x2000]  }
0x6c: {  	v33 =	vld [tilespmem:s18+$0x4000]  }
0x6d: {  	v22 =	vmul.f32 v22, v0;
	v35 =	vmul.f32 v13, v0;
	v34 =	vld [tilespmem:s18+$0x2080]  }
0x6e: {  	v4 =	vmul.f32 v19, v0;
	v3 =	vmul.f32 v10, v0;
	v13 =	vld [tilespmem:s18+$0x4080]  }
0x6f: {  	v19 =	vmul.f32 v5, v1;
	v36 =	vmul.f32 v6, v1;
	v10 =	vld [tilespmem:s18+$0x2100]  }
0x70: {  	v6 =	vmul.f32 v9, v1;
	v5 =	vmul.f32 v12, v1;
	v37 =	vld [tilespmem:s18+$0x4100]  }
0x71: {  	v9 =	vmul.f32 v32, v31;
	v12 =	vmul.f32 v33, v31;
	v32 =	vld [tilespmem:s18+$0x2180]  }
0x72: {  	v20 =	vmul.f32 v20, v2;
	v33 =	vmul.f32 v34, v30;
	v34 =	vld [tilespmem:s18+$0x4180]  }
0x73: {  	v8 =	vadd.f32 v9, v8;
	v7 =	vsub.f32 v7, v12;
	v9 =	vmul.f32 v13, v30;
	v38 =	vld [tilespmem:s18+$0x6180]  }
0x74: {  	v21 =	vmul.f32 v21, v2;
	v10 =	vmul.f32 v10, v29;
	v39 =	vld [tilespmem:s18+$0x8180]  }
0x75: {  	v8 =	vadd.f32 v33, v8;
	v7 =	vsub.f32 v7, v9;
	v12 =	vmul.f32 v37, v29;
	v33 =	vld [tilespmem:s18+$0x6100]  }
0x76: {  	v9 =	vmul.f32 v23, v2;
	v37 =	vld [tilespmem:s18+$0x8100];
	v13 =	vmul.f32 v32, v18  }
0x77: {  	v8 =	vadd.f32 v10, v8;
	v23 =	vld [tilespmem:s18+$0x6080];
	v7 =	vsub.f32 v7, v12;
	v12 =	vmul.f32 v34, v18  }
0x78: {  	v25 =	vmul.f32 v25, v11;
	v10 =	vmul.f32 v24, v2;
	v32 =	vld [tilespmem:s18+$0x8080]  }
0x79: {  	v26 =	vmul.f32 v26, v11;
	v8 =	vadd.f32 v13, v8;
	v24 =	vld [tilespmem:s18+$0x6000];
	v7 =	vsub.f32 v7, v12  }
0x7a: {  	v13 =	vmul.f32 v28, v11;
	v12 =	vmul.f32 v27, v11;
	v34 =	vld [tilespmem:s18+$0x8000]  }
0x7b: {  	s20 =	sadd.s32 $0x8, s20;
	v28 =	vmul.f32 v38, v18;
	v8 =	vadd.f32 v25, v8;
	v27 =	vld [tilespmem:s18+$0xA000];
	v7 =	vsub.f32 v7, v26  }
0x7c: {  	p0 =	slt.u32 s20, $0x38;
	v26 =	vmul.f32 v33, v29;
	v33 =	vmul.f32 v39, v18;
	v25 =	vld [tilespmem:s18+$0xC000]  }
0x7d: {  	v37 =	vmul.f32 v37, v29;
	v8 =	vadd.f32 v20, v8;
	v38 =	vld [tilespmem:s18+$0xA080];
	v7 =	vsub.f32 v7, v21  }
0x7e: {  	v20 =	vmul.f32 v23, v30;
	v21 =	vmul.f32 v32, v30;
	v23 =	vld [tilespmem:s18+$0xC080]  }
0x7f: {  	v24 =	vmul.f32 v24, v31;
	v8 =	vadd.f32 v19, v8;
	v32 =	vld [tilespmem:s18+$0xA100];
	v7 =	vsub.f32 v7, v36  }
0x80: {  	v19 =	vmul.f32 v34, v31;
	v27 =	vmul.f32 v27, v31;
	v34 =	vld [tilespmem:s18+$0xC100]  }
0x81: {  	v8 =	vadd.f32 v22, v8;
	v25 =	vmul.f32 v25, v31;
	v31 =	vld [tilespmem:s18+$0xA180];
	v7 =	vsub.f32 v7, v35  }
0x82: {  	v14 =	vsub.f32 v14, v24;
	v15 =	vsub.f32 v15, v19;
	v19 =	vmul.f32 v38, v30;
	v22 =	vld [tilespmem:s18+$0xC180]  }
0x83: {  	v16 =	vsub.f32 v16, v27;
	v17 =	vsub.f32 v17, v25;
	v23 =	vmul.f32 v23, v30;
	v24 =	vld [tilespmem:s18+$0xA200]  }
0x84: {  	v14 =	vsub.f32 v14, v20;
	v15 =	vsub.f32 v15, v21;
	v20 =	vmul.f32 v32, v29;
	v25 =	vld [tilespmem:s18+$0xC200]  }
.Ltmp0:
0x85: {  	v16 =	vsub.f32 v16, v19;
	v19 =	vsub.f32 v17, v23;
	v21 =	vmul.f32 v34, v29;
	v17 =	vld [tilespmem:s18+$0xA280];
	(pc) =	sbr.rel @p0 .LBB2_3-.Ltmp0, $4  }
0x86: {  	v23 =	vsub.f32 v14, v26;
	v26 =	vsub.f32 v15, v37;
	v27 =	vmul.f32 v31, v18;
	v14 =	vld [tilespmem:s18+$0xC280]  }
0x87: {  	v29 =	vsub.f32 v16, v20;
	v19 =	vsub.f32 v19, v21;
	v30 =	vmul.f32 v22, v18;
	v15 =	vld [tilespmem:s18+$0xA300]  }
0x88: {  	v20 =	vsub.f32 v23, v28;
	v21 =	vsub.f32 v26, v33;
	v18 =	vmul.f32 v24, v11;
	v16 =	vld [tilespmem:s18+$0xC300]  }
0x89: {  	s21 =	sadd.s32 $0x1000, s21;
	v22 =	vsub.f32 v29, v27;
	v19 =	vsub.f32 v19, v30;
	v23 =	vmul.f32 v25, v11;
	v11 =	vld [tilespmem:s18+$0xA380]  }
0x8a: {  	v12 =	vsub.f32 v20, v12  }
0x8b: {  	v13 =	vsub.f32 v21, v13  }
0x8c: {  	v17 =	vmul.f32 v17, v2;
	v53 =	vld [tilespmem:s18+$0xC380];
	v18 =	vsub.f32 v22, v18;
	v9 =	vsub.f32 v12, v9  }
0x8d: {  	v54 =	vsub.f32 v19, v23;
	v55 =	vmul.f32 v14, v2;
	v10 =	vsub.f32 v13, v10  }
0x8e: {  	v56 =	vmul.f32 v15, v1;
	v57 =	vsub.f32 v18, v17;
	v6 =	vsub.f32 v9, v6  }
0x8f: {  	s17 =	sadd.s32 $0x1, s17;
	v2 =	vsub.f32 v54, v55;
	v58 =	vmul.f32 v16, v1;
	v5 =	vsub.f32 v10, v5  }
0x90: {  	[tilespmem:s19+$0xE000] =	vst v8;
	p0 =	sne.s32 s17, $0x8;
	v59 =	vmul.f32 v11, v0;
	v60 =	vsub.f32 v57, v56;
	v4 =	vsub.f32 v6, v4  }
.Ltmp1:
0x91: {  	[tilespmem:s19+$0xE080] =	vst v7;
	v1 =	vsub.f32 v2, v58;
	v61 =	vmul.f32 v53, v0;
	v62 =	vsub.f32 v5, v3;
	(pc) =	sbr.rel @p0 .LBB2_2-.Ltmp1, $4  }
0x92: {  	v63 =	vsub.f32 v60, v59;
	[tilespmem:s19+$0xE100] =	vst v4  }
0x93: {  	v0 =	vsub.f32 v1, v61;
	[tilespmem:s19+$0xE180] =	vst v62  }
0x94: {  	[tilespmem:s19+$0xE200] =	vst v63  }
0x95: {  	s16 =	sadd.s32 $0x40, s16;
	[tilespmem:s19+$0xE280] =	vst v0  }
0x96: {  	[hbm4b:s6+s8] =	stream.strided.scatter [tilespmem:s14], [sflag:$0x1], $0x0, s13, s8, $0x38;
	[tilespmem:$0xE400] =	vst v63  }
0x97: {  	s15 =	sadd.s32 $0x1, s15  }
0x98: {  	p0 =	sne.s32 s15, s7  }
.Ltmp2:
0x99: {  	_ = 	snop;
	(pc) =	sbr.rel @p0 .LBB2_1-.Ltmp2, $4  }
0x9a: {  	[hbm4b:s6+s2] =	stream.linear.scatter [tilespmem:s14], [sflag:$0x1], $0x300, $0x38;
	[tilespmem:$0xE400] =	vst v63  }
0x9b: {  	_ =	swait.ge [sflag:s10], $0x300  }
0x9c: {  	[sflag:s10] =	ssyncset.done $0x0  }
0x9d: {  	[sflag:s10] =	ssyncadd.s32 $0xFFFFFD00  }
0x9e: {  	_ =	sfence.sel $0x180000  }
0x9f: {  	[bflag:$0x0] =	sbarrier.arrive $0xFFFF  }
0xa0: {  	p0 =	sne.s32 s1, $0x0;
	_ =	strace $0x90000047  }
0xa1: {  	s0 =	sadd.s32 @!p0 $0x100000, s0;
	[bflag:$0x2] =	sbarrier.arrive $0xFFFF  }
0xa2: {  	[sflag:s0] =	ssyncadd.tile.s32 @!p0 $0x1;
	_ =	shalt  }
.Lfunc_end2:
_tile_overlayer_lowered:
.L_overlay_start_2:
0xa3: {  	(tag) =	ssettag $0x2  }
0xa4: {  	s0 =	rddreg [dreg:$0x0];
	s2 =	stileid.u32  }
0xa5: {  	s1 =	rddreg [dreg:$0x1];
	p0 =	sne.s32 s2, $0x0  }
0xa6: {  	s3 =	rddreg [dreg:$0x2];
	[bflag:$0x3] =	sbarrier.arrive $0xFFFF;
	s2 =	simm.s32 @!p0 $0x1C01  }
0xa7: {  	[timem:s3], [sflag:s2] =	dma.local @!p0 [hbm:s0], s1  }
0xa8: {  	s0 =	simm.s32 @!p0 $0x1  }
0xa9: {  	_ =	swait.ge @!p0 [sflag:s0], s1  }
0xaa: {  	s1 =	ssub.s32 @!p0 $0x0, s1;
	[sflag:s0] =	ssyncset.done @!p0 $0x0  }
0xab: {  	[sflag:s0] =	ssyncadd.s32 @!p0 s1  }
0xac: {  	[bflag:$0x3] =	sbarrier.arrive $0xFFFF  }
0xad: {  	_ =	shalt  }

</sc_bundles>
